<compile_context>
chip_gen: v7x
topology: tpu7x:2x2x1
jax: 0.10.2.dev20260603
libtpu: 0.0.44.dev20260713+nightly
codegen_flags: <defaults>
</compile_context>

<pallas_src>
import functools

import numpy as np
import jax
import jax.numpy as jnp
from jax import lax
from jax.experimental import pallas as pl
from jax.experimental.pallas import tpu as pltpu
from jax.experimental.pallas import tpu_sc as plsc

EMBED = 64
PADE = 128
SEQ = 200
BATCH = 1024
MAX_LEN = 512
VOCAB = 1000000

NC, NS = 2, 16
NW = NC * NS
N = BATCH * SEQ
NPW = N // NW
SUB = 128
CH = 256
NCHUNK = NPW // CH
KSUB = CH // SUB

TB = 384
TRB = TB // 2
NBF = 999936 // TB
TAIL_T0 = NBF * TB
TAIL_N = VOCAB - TAIL_T0


def _make_pe_np(max_len, d_model):
    position = np.arange(max_len, dtype=np.float32)[:, None]
    div_term = np.exp(
        np.arange(0, d_model, 2, dtype=np.float32) * -(np.log(10000.0) / d_model)
    )
    pe = np.zeros((max_len, d_model), dtype=np.float32)
    pe[:, 0::2] = np.sin(position * div_term)
    pe[:, 1::2] = np.cos(position * div_term)
    return pe


_PE = _make_pe_np(MAX_LEN, EMBED)[:SEQ]


NBW = (NBF + NW - 1) // NW


def _tr_body(tokt, tailp, tokd,
             blk0, blk1, rowb0, rowb1, si0, si1, so0, so1):
    c = lax.axis_index("c")
    s = lax.axis_index("s")
    wid = s * NC + c
    lane = lax.iota(jnp.int32, 16)
    blks, rowbs = (blk0, blk1), (rowb0, rowb1)
    sis, sos = (si0, si1), (so0, so1)

    def _transpose_block(blk_v, rowb_v, nrows):
        @plsc.parallel_loop(0, nrows, unroll=8)
        def _t(rp):
            for u in range(PADE // 16):
                src = plsc.load_gather(
                    blk_v, [(u % 4) * 16 + lane,
                            lane * 0 + (2 * rp + u // 4)])
                rowb_v[rp, pl.ds(u * 16, 16)] = src

    def _src_at(k):
        return tokt.at[:, pl.ds(pl.multiple_of((wid + k * NW) * TB, TB), TB)]

    def _dst_at(k):
        return tokd.at[pl.ds(pl.multiple_of((wid + k * NW) * TRB, TRB), TRB)]

    @pl.when(wid < NBF)
    def _prologue():
        pltpu.async_copy(_src_at(0), blk0, si0)

    @pl.loop(0, (NBW + 1) // 2)
    def _pair(bi):
        for ph in range(2):
            k = bi * 2 + ph

            @pl.when(wid + k * NW < NBF)
            def _():
                pltpu.make_async_copy(_src_at(k), blks[ph], sis[ph]).wait()

                @pl.when(wid + (k + 1) * NW < NBF)
                def _issue_next():
                    pltpu.async_copy(_src_at(k + 1), blks[1 - ph],
                                     sis[1 - ph])

                @pl.when(k >= 2)
                def _drain_prev_out():
                    pltpu.make_async_copy(rowbs[ph], _dst_at(k - 2),
                                          sos[ph]).wait()

                _transpose_block(blks[ph], rowbs[ph], TRB)
                pltpu.async_copy(rowbs[ph], _dst_at(k), sos[ph])

    for ph in range(2):
        pltpu.make_async_copy(rowbs[ph], _dst_at(0), sos[ph]).wait()

    @pl.when(wid == 0)
    def _tail():
        pltpu.sync_copy(tailp, blk0.at[:, pl.ds(0, 128)])
        _transpose_block(blk0, rowb0, TAIL_N // 2)
        pltpu.sync_copy(rowb0.at[pl.ds(0, TAIL_N // 2)],
                        tokd.at[pl.ds(TAIL_T0 // 2, TAIL_N // 2)])


@jax.jit
def _tr_call(tokt, tailp):
    mesh = plsc.VectorSubcoreMesh(
        core_axis_name="c", subcore_axis_name="s",
        num_cores=NC, num_subcores=NS)
    return pl.kernel(
        _tr_body,
        out_type=jax.ShapeDtypeStruct((VOCAB // 2, PADE), jnp.float32),
        mesh=mesh,
        scratch_types=[
            pltpu.VMEM((EMBED, TB), jnp.float32),
            pltpu.VMEM((EMBED, TB), jnp.float32),
            pltpu.VMEM((TRB, PADE), jnp.float32),
            pltpu.VMEM((TRB, PADE), jnp.float32),
            pltpu.SemaphoreType.DMA,
            pltpu.SemaphoreType.DMA,
            pltpu.SemaphoreType.DMA,
            pltpu.SemaphoreType.DMA,
        ],
        compiler_params=pltpu.CompilerParams(
            use_tc_tiling_on_sc=True, needs_layout_passes=False),
    )(tokt, tailp)


def _sc_body(seq1d, seg1d, tok, comb, out,
             idx_v, seg_v, cidx_v, idxh_v, rows_v, crows_v, rows_o,
             sem_t, sem_c):
    c = lax.axis_index("c")
    s = lax.axis_index("s")
    wid = s * NC + c
    base = wid * NPW

    pltpu.sync_copy(seq1d.at[pl.ds(base, NPW)], idx_v)
    pltpu.sync_copy(seg1d.at[pl.ds(base, NPW)], seg_v)

    lane = lax.iota(jnp.int32, 16)

    @plsc.parallel_loop(0, NPW // 16, unroll=4)
    def _cidx(g):
        off = g * 16
        pos = lax.rem(off + lane, SEQ)
        cidx_v[pl.ds(off, 16)] = seg_v[pl.ds(off, 16)] * SEQ + pos
        idxh_v[pl.ds(off, 16)] = lax.shift_right_logical(
            idx_v[pl.ds(off, 16)], 1)

    @pl.loop(0, NCHUNK)
    def _chunk(ci):
        cb = ci * CH
        descs = []
        for k in range(KSUB):
            descs.append(pltpu.async_copy(
                tok.at[idxh_v.at[pl.ds(cb + k * SUB, SUB)]],
                rows_v.at[pl.ds(k * SUB, SUB)], sem_t))
            descs.append(pltpu.async_copy(
                comb.at[cidx_v.at[pl.ds(cb + k * SUB, SUB)]],
                crows_v.at[pl.ds(k * SUB, SUB)], sem_c))
        for d in descs:
            d.wait()

        @plsc.parallel_loop(0, CH // 2, unroll=4)
        def _add(rp):
            for half in range(2):
                r = rp * 2 + half
                pidx = plsc.load_gather(idx_v, [lane * 0 + (cb + r)])
                oddf = lax.convert_element_type(pidx & 1, jnp.float32)
                for u in range(EMBED // 16):
                    sl = pl.ds(u * 16, 16)
                    lo = rows_v[r, sl]
                    hi = rows_v[r, pl.ds(EMBED + u * 16, 16)]
                    rows_o[rp, pl.ds(half * EMBED + u * 16, 16)] = (
                        lo + oddf * (hi - lo) + crows_v[r, sl])

        orow = pl.multiple_of((base + ci * CH) // 2, CH // 2)
        pltpu.sync_copy(rows_o, out.at[pl.ds(orow, CH // 2)])


@jax.jit
def _sc_call(seq1d, seg1d, tok, comb):
    mesh = plsc.VectorSubcoreMesh(
        core_axis_name="c", subcore_axis_name="s",
        num_cores=NC, num_subcores=NS)
    return pl.kernel(
        _sc_body,
        out_type=jax.ShapeDtypeStruct((N // 2, PADE), jnp.float32),
        mesh=mesh,
        scratch_types=[
            pltpu.VMEM((NPW,), jnp.int32),
            pltpu.VMEM((NPW,), jnp.int32),
            pltpu.VMEM((NPW,), jnp.int32),
            pltpu.VMEM((NPW,), jnp.int32),
            pltpu.VMEM((CH, PADE), jnp.float32),
            pltpu.VMEM((CH, PADE), jnp.float32),
            pltpu.VMEM((CH // 2, PADE), jnp.float32),
            pltpu.SemaphoreType.DMA,
            pltpu.SemaphoreType.DMA,
        ],
        compiler_params=pltpu.CompilerParams(
            use_tc_tiling_on_sc=True, needs_layout_passes=False),
    )(seq1d, seg1d, tok, comb)


def kernel(sequence, segment_label, token_table, segment_table):
    b, s = sequence.shape
    seq1d = sequence.reshape(N).astype(jnp.int32)
    seg1d = segment_label.reshape(N).astype(jnp.int32)
    pe = jnp.asarray(_PE)
    comb = (segment_table[:, None, :] + pe[None, :, :]).reshape(3 * SEQ, EMBED)
    tokt = token_table.T
    tailp = jnp.pad(tokt[:, TAIL_T0:], ((0, 0), (0, PADE - TAIL_N)))
    tokd = _tr_call(tokt, tailp)
    combp = jnp.pad(comb, ((0, 0), (0, PADE - EMBED)))
    out = _sc_call(seq1d, seg1d, tokd, combp)
    return out.reshape(b, s, EMBED)

# --- scband reference (transcript-rebuilt; emitter-appended) ---
"""Pipeline reference for scband-bertembedding-37357625541330 (READ-ONLY COPY).

The authoritative reference and input builder live on the scoring server;
editing this copy changes nothing except your own understanding.
"""

import jax, jax.numpy as jnp
import numpy as np

VOCAB = 1000000
EMBED = 64
MAX_LEN = 512
BATCH = 1024
SEQ = 200


def _make_pe(max_len, d_model):
    position = np.arange(max_len, dtype=np.float32)[:, None]
    div_term = np.exp(np.arange(0, d_model, 2, dtype=np.float32) * -(np.log(10000.0) / d_model))
    pe = np.zeros((max_len, d_model), dtype=np.float32)
    pe[:, 0::2] = np.sin(position * div_term)
    pe[:, 1::2] = np.cos(position * div_term)
    return jnp.asarray(pe)


def setup_inputs(seed: int = 0) -> dict:
    key = jax.random.key(seed)
    k1, k2, k3, k4 = jax.random.split(key, 4)
    sequence = jax.random.randint(k1, (BATCH, SEQ), 0, VOCAB, dtype=jnp.int64 if jax.config.read('jax_enable_x64') else jnp.int32)
    segment_label = jax.random.randint(k2, (BATCH, SEQ), 0, 3, dtype=sequence.dtype)
    # learned parameters
    token_table = jax.random.normal(k3, (VOCAB, EMBED), dtype=jnp.float32) * 0.02
    segment_table = jax.random.normal(k4, (3, EMBED), dtype=jnp.float32) * 0.02
    segment_table = segment_table.at[0].set(0.0)  # padding_idx=0
    return {
        "sequence": sequence,
        "segment_label": segment_label,
        "token_table": token_table,
        "segment_table": segment_table,
    }


def reference(sequence, segment_label, token_table, segment_table):
    seq_len = sequence.shape[1]
    pe = _make_pe(MAX_LEN, EMBED)  # fixed sinusoidal buffer, not learned
    x = pe[:seq_len][None, :, :]                       # PositionalEmbedding(sequence)
    x = x + jnp.take(token_table, sequence, axis=0)    # TokenEmbedding gather
    x = x + jnp.take(segment_table, segment_label, axis=0)  # SegmentEmbedding gather
    # dropout is identity in eval/reference mode; is_time=False so TimeEmbedding skipped
    return x

if __name__ == "__main__":
    import jax
    _d = setup_inputs()
    print(jax.jit(kernel)(*tuple(_d.values())))

</pallas_src>

<mosaic_0001>
#map = affine_map<(d0, d1) -> (0, 0)>
module attributes {stable_mosaic.version = 14 : i64} {
  func.func @_tr_body(%arg0: i32, %arg1: i32, %arg2: memref<64x1000000xf32, #tpu.memory_space<hbm>>, %arg3: memref<64x128xf32, #tpu.memory_space<hbm>>, %arg4: memref<500000x128xf32, #tpu.memory_space<hbm>>, %arg5: memref<64x384xf32, #tpu.memory_space<vmem>>, %arg6: memref<64x384xf32, #tpu.memory_space<vmem>>, %arg7: memref<192x128xf32, #tpu.memory_space<vmem>>, %arg8: memref<192x128xf32, #tpu.memory_space<vmem>>, %arg9: memref<!tpu.dma_semaphore, #tpu.memory_space<semaphore_mem>>, %arg10: memref<!tpu.dma_semaphore, #tpu.memory_space<semaphore_mem>>, %arg11: memref<!tpu.dma_semaphore, #tpu.memory_space<semaphore_mem>>, %arg12: memref<!tpu.dma_semaphore, #tpu.memory_space<semaphore_mem>>) attributes {dimension_semantics = [#tpu.dimension_semantics<core_parallel>, #tpu.dimension_semantics<subcore_parallel>], iteration_bounds = array<i64: 2, 16>, scalar_prefetch = 0 : i64, scratch_operands = 8 : i64, tpu.core_type = #tpu.core_type<sc_vector_subcore>, window_params = [{transform_indices = #map}, {transform_indices = #map}, {transform_indices = #map}]} {
    %mul3A = arith.constant 2 : i32
    %mul3A_0 = arith.muli %arg1, %mul3A : i32
    %add3A = arith.addi %mul3A_0, %arg0 : i32
    %iota3A = tpu.iota {dimensions = array<i32: 0>} : vector<16xi32>
    %lt3A = arith.constant 2604 : i32
    %lt3A_1 = arith.cmpi slt, %add3A, %lt3A : i32
    %convert_element_type3A = arith.extui %lt3A_1 : i1 to i32
    %cond3A = arith.constant 0 : i32
    %cond3A_2 = arith.cmpi ne, %convert_element_type3A, %cond3A : i32
    scf.if %cond3A_2 {
      %add3A_27 = arith.constant 0 : i32
      %add3A_28 = arith.addi %add3A, %add3A_27 : i32
      %mul3A_29 = arith.constant 384 : i32
      %mul3A_30 = arith.muli %add3A_28, %mul3A_29 : i32
      %multiple_of3A_31 = tpu.assume_multiple %mul3A_30, 384 : i32
      %dma_start3A = arith.constant 0 : i32
      %dma_start3A_32 = tpu.memref_slice %arg2[%dma_start3A, %multiple_of3A_31] : memref<64x1000000xf32, #tpu.memory_space<hbm>> -> memref<64x384xf32, #tpu.memory_space<hbm>>
      %dma_start3A_33 = arith.constant 0 : i32
      %dma_start3A_34 = tpu.memref_slice %arg2[%dma_start3A_33, %multiple_of3A_31] : memref<64x1000000xf32, #tpu.memory_space<hbm>> -> memref<64x384xf32, #tpu.memory_space<hbm>>
      tpu.enqueue_dma source(%dma_start3A_34 : memref<64x384xf32, #tpu.memory_space<hbm>>) target(%arg5 : memref<64x384xf32, #tpu.memory_space<vmem>>) target_semaphore(%arg9 : memref<!tpu.dma_semaphore, #tpu.memory_space<semaphore_mem>>)
    } else {
    }
    %scan3A = arith.constant 0 : i32
    %scan3A_3 = arith.constant 41 : i32
    %scan3A_4 = arith.addi %scan3A, %scan3A_3 : i32
    %scan3A_5 = arith.constant 1 : i32
    scf.for %scan3A_27 = %scan3A to %scan3A_4 step %scan3A_5  : i32 {
      %mul3A_28 = arith.constant 1 : i32
      %mul3A_29 = arith.muli %scan3A_27, %mul3A_28 : i32
      %add3A_30 = arith.constant 0 : i32
      %add3A_31 = arith.addi %add3A_30, %mul3A_29 : i32
      %mul3A_32 = arith.constant 2 : i32
      %mul3A_33 = arith.muli %add3A_31, %mul3A_32 : i32
      %add3A_34 = arith.constant 0 : i32
      %add3A_35 = arith.addi %mul3A_33, %add3A_34 : i32
      %mul3A_36 = arith.constant 32 : i32
      %mul3A_37 = arith.muli %add3A_35, %mul3A_36 : i32
      %add3A_38 = arith.addi %add3A, %mul3A_37 : i32
      %lt3A_39 = arith.constant 2604 : i32
      %lt3A_40 = arith.cmpi slt, %add3A_38, %lt3A_39 : i32
      %convert_element_type3A_41 = arith.extui %lt3A_40 : i1 to i32
      %cond3A_42 = arith.constant 0 : i32
      %cond3A_43 = arith.cmpi ne, %convert_element_type3A_41, %cond3A_42 : i32
      scf.if %cond3A_43 {
        %mul3A_56 = arith.constant 32 : i32
        %mul3A_57 = arith.muli %add3A_35, %mul3A_56 : i32
        %add3A_58 = arith.addi %add3A, %mul3A_57 : i32
        %mul3A_59 = arith.constant 384 : i32
        %mul3A_60 = arith.muli %add3A_58, %mul3A_59 : i32
        %multiple_of3A_61 = tpu.assume_multiple %mul3A_60, 384 : i32
        %dma_wait3A_62 = arith.constant 0 : i32
        %dma_wait3A_63 = tpu.memref_slice %arg2[%dma_wait3A_62, %multiple_of3A_61] : memref<64x1000000xf32, #tpu.memory_space<hbm>> -> memref<64x384xf32, #tpu.memory_space<hbm>>
        %dma_wait3A_64 = arith.constant 0 : i32
        %dma_wait3A_65 = tpu.memref_slice %arg2[%dma_wait3A_64, %multiple_of3A_61] : memref<64x1000000xf32, #tpu.memory_space<hbm>> -> memref<64x384xf32, #tpu.memory_space<hbm>>
        tpu.wait_dma2 semaphore(%arg9 : memref<!tpu.dma_semaphore, #tpu.memory_space<semaphore_mem>>) src(%dma_wait3A_65 : memref<64x384xf32, #tpu.memory_space<hbm>>) dst(%arg5 : memref<64x384xf32, #tpu.memory_space<vmem>>)
        %add3A_66 = arith.constant 1 : i32
        %add3A_67 = arith.addi %add3A_35, %add3A_66 : i32
        %mul3A_68 = arith.constant 32 : i32
        %mul3A_69 = arith.muli %add3A_67, %mul3A_68 : i32
        %add3A_70 = arith.addi %add3A, %mul3A_69 : i32
        %lt3A_71 = arith.constant 2604 : i32
        %lt3A_72 = arith.cmpi slt, %add3A_70, %lt3A_71 : i32
        %convert_element_type3A_73 = arith.extui %lt3A_72 : i1 to i32
        %cond3A_74 = arith.constant 0 : i32
        %cond3A_75 = arith.cmpi ne, %convert_element_type3A_73, %cond3A_74 : i32
        scf.if %cond3A_75 {
          %add3A_91 = arith.constant 1 : i32
          %add3A_92 = arith.addi %add3A_35, %add3A_91 : i32
          %mul3A_93 = arith.constant 32 : i32
          %mul3A_94 = arith.muli %add3A_92, %mul3A_93 : i32
          %add3A_95 = arith.addi %add3A, %mul3A_94 : i32
          %mul3A_96 = arith.constant 384 : i32
          %mul3A_97 = arith.muli %add3A_95, %mul3A_96 : i32
          %multiple_of3A_98 = tpu.assume_multiple %mul3A_97, 384 : i32
          %dma_start3A_99 = arith.constant 0 : i32
          %dma_start3A_100 = tpu.memref_slice %arg2[%dma_start3A_99, %multiple_of3A_98] : memref<64x1000000xf32, #tpu.memory_space<hbm>> -> memref<64x384xf32, #tpu.memory_space<hbm>>
          %dma_start3A_101 = arith.constant 0 : i32
          %dma_start3A_102 = tpu.memref_slice %arg2[%dma_start3A_101, %multiple_of3A_98] : memref<64x1000000xf32, #tpu.memory_space<hbm>> -> memref<64x384xf32, #tpu.memory_space<hbm>>
          tpu.enqueue_dma source(%dma_start3A_102 : memref<64x384xf32, #tpu.memory_space<hbm>>) target(%arg6 : memref<64x384xf32, #tpu.memory_space<vmem>>) target_semaphore(%arg10 : memref<!tpu.dma_semaphore, #tpu.memory_space<semaphore_mem>>)
        } else {
        }
        %ge3A = arith.constant 2 : i32
        %ge3A_76 = arith.cmpi sge, %add3A_35, %ge3A : i32
        %convert_element_type3A_77 = arith.extui %ge3A_76 : i1 to i32
        %cond3A_78 = arith.constant 0 : i32
        %cond3A_79 = arith.cmpi ne, %convert_element_type3A_77, %cond3A_78 : i32
        scf.if %cond3A_79 {
          %sub3A = arith.constant 2 : i32
          %sub3A_91 = arith.subi %add3A_35, %sub3A : i32
          %mul3A_92 = arith.constant 32 : i32
          %mul3A_93 = arith.muli %sub3A_91, %mul3A_92 : i32
          %add3A_94 = arith.addi %add3A, %mul3A_93 : i32
          %mul3A_95 = arith.constant 192 : i32
          %mul3A_96 = arith.muli %add3A_94, %mul3A_95 : i32
          %multiple_of3A_97 = tpu.assume_multiple %mul3A_96, 192 : i32
          %dma_wait3A_98 = arith.constant 0 : i32
          %dma_wait3A_99 = tpu.memref_slice %arg4[%multiple_of3A_97, %dma_wait3A_98] : memref<500000x128xf32, #tpu.memory_space<hbm>> -> memref<192x128xf32, #tpu.memory_space<hbm>>
          %dma_wait3A_100 = arith.constant 0 : i32
          %dma_wait3A_101 = tpu.memref_slice %arg4[%multiple_of3A_97, %dma_wait3A_100] : memref<500000x128xf32, #tpu.memory_space<hbm>> -> memref<192x128xf32, #tpu.memory_space<hbm>>
          tpu.wait_dma2 semaphore(%arg11 : memref<!tpu.dma_semaphore, #tpu.memory_space<semaphore_mem>>) src(%arg7 : memref<192x128xf32, #tpu.memory_space<vmem>>) dst(%dma_wait3A_101 : memref<192x128xf32, #tpu.memory_space<hbm>>)
        } else {
        }
        %parallel_loop3A = arith.constant 0 : i32
        %parallel_loop3A_80 = arith.constant 192 : i32
        %parallel_loop3A_81 = arith.constant 1 : i32
        scf.for %parallel_loop3A_91 = %parallel_loop3A to %parallel_loop3A_80 step %parallel_loop3A_81  : i32 {
          %parallel_loop3A_92 = arith.constant 0 : i32
          %parallel_loop3A_93 = vector.broadcast %parallel_loop3A_92 : i32 to vector<16xi32>
          %parallel_loop3A_94 = arith.addi %parallel_loop3A_93, %iota3A : vector<16xi32>
          %parallel_loop3A_95 = arith.constant 0 : i32
          %parallel_loop3A_96 = vector.broadcast %parallel_loop3A_95 : i32 to vector<16xi32>
          %parallel_loop3A_97 = arith.muli %iota3A, %parallel_loop3A_96 : vector<16xi32>
          %parallel_loop3A_98 = arith.constant 2 : i32
          %parallel_loop3A_99 = arith.muli %parallel_loop3A_98, %parallel_loop3A_91 : i32
          %parallel_loop3A_100 = arith.constant 0 : i32
          %parallel_loop3A_101 = arith.addi %parallel_loop3A_99, %parallel_loop3A_100 : i32
          %parallel_loop3A_102 = vector.broadcast %parallel_loop3A_101 : i32 to vector<16xi32>
          %parallel_loop3A_103 = arith.addi %parallel_loop3A_97, %parallel_loop3A_102 : vector<16xi32>
          %parallel_loop3A_104 = tpu.vector_load_idx %arg5[%parallel_loop3A_94, %parallel_loop3A_103] : memref<64x384xf32, #tpu.memory_space<vmem>>[vector<16xi32>, vector<16xi32>], vector<16xf32>,
          %parallel_loop3A_105 = arith.index_cast %parallel_loop3A_91 : i32 to index
          %parallel_loop3A_106 = arith.constant 0 : index
          %parallel_loop3A_107 = tpu.vector_load %arg7[%parallel_loop3A_105, %parallel_loop3A_106] {strides = array<i32>} : memref<192x128xf32, #tpu.memory_space<vmem>>, vector<16xf32>,
          tpu.vector_store %arg7[%parallel_loop3A_105, %parallel_loop3A_106], %parallel_loop3A_104 {strides = array<i32>} : memref<192x128xf32, #tpu.memory_space<vmem>>, vector<16xf32>,
          %parallel_loop3A_108 = arith.constant 16 : i32
          %parallel_loop3A_109 = vector.broadcast %parallel_loop3A_108 : i32 to vector<16xi32>
          %parallel_loop3A_110 = arith.addi %parallel_loop3A_109, %iota3A : vector<16xi32>
          %parallel_loop3A_111 = arith.constant 0 : i32
          %parallel_loop3A_112 = vector.broadcast %parallel_loop3A_111 : i32 to vector<16xi32>
          %parallel_loop3A_113 = arith.muli %iota3A, %parallel_loop3A_112 : vector<16xi32>
          %parallel_loop3A_114 = arith.constant 2 : i32
          %parallel_loop3A_115 = arith.muli %parallel_loop3A_114, %parallel_loop3A_91 : i32
          %parallel_loop3A_116 = arith.constant 0 : i32
          %parallel_loop3A_117 = arith.addi %parallel_loop3A_115, %parallel_loop3A_116 : i32
          %parallel_loop3A_118 = vector.broadcast %parallel_loop3A_117 : i32 to vector<16xi32>
          %parallel_loop3A_119 = arith.addi %parallel_loop3A_113, %parallel_loop3A_118 : vector<16xi32>
          %parallel_loop3A_120 = tpu.vector_load_idx %arg5[%parallel_loop3A_110, %parallel_loop3A_119] : memref<64x384xf32, #tpu.memory_space<vmem>>[vector<16xi32>, vector<16xi32>], vector<16xf32>,
          %parallel_loop3A_121 = arith.index_cast %parallel_loop3A_91 : i32 to index
          %parallel_loop3A_122 = arith.constant 16 : index
          %parallel_loop3A_123 = tpu.vector_load %arg7[%parallel_loop3A_121, %parallel_loop3A_122] {strides = array<i32>} : memref<192x128xf32, #tpu.memory_space<vmem>>, vector<16xf32>,
          tpu.vector_store %arg7[%parallel_loop3A_121, %parallel_loop3A_122], %parallel_loop3A_120 {strides = array<i32>} : memref<192x128xf32, #tpu.memory_space<vmem>>, vector<16xf32>,
          %parallel_loop3A_124 = arith.constant 32 : i32
          %parallel_loop3A_125 = vector.broadcast %parallel_loop3A_124 : i32 to vector<16xi32>
          %parallel_loop3A_126 = arith.addi %parallel_loop3A_125, %iota3A : vector<16xi32>
          %parallel_loop3A_127 = arith.constant 0 : i32
          %parallel_loop3A_128 = vector.broadcast %parallel_loop3A_127 : i32 to vector<16xi32>
          %parallel_loop3A_129 = arith.muli %iota3A, %parallel_loop3A_128 : vector<16xi32>
          %parallel_loop3A_130 = arith.constant 2 : i32
          %parallel_loop3A_131 = arith.muli %parallel_loop3A_130, %parallel_loop3A_91 : i32
          %parallel_loop3A_132 = arith.constant 0 : i32
          %parallel_loop3A_133 = arith.addi %parallel_loop3A_131, %parallel_loop3A_132 : i32
          %parallel_loop3A_134 = vector.broadcast %parallel_loop3A_133 : i32 to vector<16xi32>
          %parallel_loop3A_135 = arith.addi %parallel_loop3A_129, %parallel_loop3A_134 : vector<16xi32>
          %parallel_loop3A_136 = tpu.vector_load_idx %arg5[%parallel_loop3A_126, %parallel_loop3A_135] : memref<64x384xf32, #tpu.memory_space<vmem>>[vector<16xi32>, vector<16xi32>], vector<16xf32>,
          %parallel_loop3A_137 = arith.index_cast %parallel_loop3A_91 : i32 to index
          %parallel_loop3A_138 = arith.constant 32 : index
          %parallel_loop3A_139 = tpu.vector_load %arg7[%parallel_loop3A_137, %parallel_loop3A_138] {strides = array<i32>} : memref<192x128xf32, #tpu.memory_space<vmem>>, vector<16xf32>,
          tpu.vector_store %arg7[%parallel_loop3A_137, %parallel_loop3A_138], %parallel_loop3A_136 {strides = array<i32>} : memref<192x128xf32, #tpu.memory_space<vmem>>, vector<16xf32>,
          %parallel_loop3A_140 = arith.constant 48 : i32
          %parallel_loop3A_141 = vector.broadcast %parallel_loop3A_140 : i32 to vector<16xi32>
          %parallel_loop3A_142 = arith.addi %parallel_loop3A_141, %iota3A : vector<16xi32>
          %parallel_loop3A_143 = arith.constant 0 : i32
          %parallel_loop3A_144 = vector.broadcast %parallel_loop3A_143 : i32 to vector<16xi32>
          %parallel_loop3A_145 = arith.muli %iota3A, %parallel_loop3A_144 : vector<16xi32>
          %parallel_loop3A_146 = arith.constant 2 : i32
          %parallel_loop3A_147 = arith.muli %parallel_loop3A_146, %parallel_loop3A_91 : i32
          %parallel_loop3A_148 = arith.constant 0 : i32
          %parallel_loop3A_149 = arith.addi %parallel_loop3A_147, %parallel_loop3A_148 : i32
          %parallel_loop3A_150 = vector.broadcast %parallel_loop3A_149 : i32 to vector<16xi32>
          %parallel_loop3A_151 = arith.addi %parallel_loop3A_145, %parallel_loop3A_150 : vector<16xi32>
          %parallel_loop3A_152 = tpu.vector_load_idx %arg5[%parallel_loop3A_142, %parallel_loop3A_151] : memref<64x384xf32, #tpu.memory_space<vmem>>[vector<16xi32>, vector<16xi32>], vector<16xf32>,
          %parallel_loop3A_153 = arith.index_cast %parallel_loop3A_91 : i32 to index
          %parallel_loop3A_154 = arith.constant 48 : index
          %parallel_loop3A_155 = tpu.vector_load %arg7[%parallel_loop3A_153, %parallel_loop3A_154] {strides = array<i32>} : memref<192x128xf32, #tpu.memory_space<vmem>>, vector<16xf32>,
          tpu.vector_store %arg7[%parallel_loop3A_153, %parallel_loop3A_154], %parallel_loop3A_152 {strides = array<i32>} : memref<192x128xf32, #tpu.memory_space<vmem>>, vector<16xf32>,
          %parallel_loop3A_156 = arith.constant 0 : i32
          %parallel_loop3A_157 = vector.broadcast %parallel_loop3A_156 : i32 to vector<16xi32>
          %parallel_loop3A_158 = arith.addi %parallel_loop3A_157, %iota3A : vector<16xi32>
          %parallel_loop3A_159 = arith.constant 0 : i32
          %parallel_loop3A_160 = vector.broadcast %parallel_loop3A_159 : i32 to vector<16xi32>
          %parallel_loop3A_161 = arith.muli %iota3A, %parallel_loop3A_160 : vector<16xi32>
          %parallel_loop3A_162 = arith.constant 2 : i32
          %parallel_loop3A_163 = arith.muli %parallel_loop3A_162, %parallel_loop3A_91 : i32
          %parallel_loop3A_164 = arith.constant 1 : i32
          %parallel_loop3A_165 = arith.addi %parallel_loop3A_163, %parallel_loop3A_164 : i32
          %parallel_loop3A_166 = vector.broadcast %parallel_loop3A_165 : i32 to vector<16xi32>
          %parallel_loop3A_167 = arith.addi %parallel_loop3A_161, %parallel_loop3A_166 : vector<16xi32>
          %parallel_loop3A_168 = tpu.vector_load_idx %arg5[%parallel_loop3A_158, %parallel_loop3A_167] : memref<64x384xf32, #tpu.memory_space<vmem>>[vector<16xi32>, vector<16xi32>], vector<16xf32>,
          %parallel_loop3A_169 = arith.index_cast %parallel_loop3A_91 : i32 to index
          %parallel_loop3A_170 = arith.constant 64 : index
          %parallel_loop3A_171 = tpu.vector_load %arg7[%parallel_loop3A_169, %parallel_loop3A_170] {strides = array<i32>} : memref<192x128xf32, #tpu.memory_space<vmem>>, vector<16xf32>,
          tpu.vector_store %arg7[%parallel_loop3A_169, %parallel_loop3A_170], %parallel_loop3A_168 {strides = array<i32>} : memref<192x128xf32, #tpu.memory_space<vmem>>, vector<16xf32>,
          %parallel_loop3A_172 = arith.constant 16 : i32
          %parallel_loop3A_173 = vector.broadcast %parallel_loop3A_172 : i32 to vector<16xi32>
          %parallel_loop3A_174 = arith.addi %parallel_loop3A_173, %iota3A : vector<16xi32>
          %parallel_loop3A_175 = arith.constant 0 : i32
          %parallel_loop3A_176 = vector.broadcast %parallel_loop3A_175 : i32 to vector<16xi32>
          %parallel_loop3A_177 = arith.muli %iota3A, %parallel_loop3A_176 : vector<16xi32>
          %parallel_loop3A_178 = arith.constant 2 : i32
          %parallel_loop3A_179 = arith.muli %parallel_loop3A_178, %parallel_loop3A_91 : i32
          %parallel_loop3A_180 = arith.constant 1 : i32
          %parallel_loop3A_181 = arith.addi %parallel_loop3A_179, %parallel_loop3A_180 : i32
          %parallel_loop3A_182 = vector.broadcast %parallel_loop3A_181 : i32 to vector<16xi32>
          %parallel_loop3A_183 = arith.addi %parallel_loop3A_177, %parallel_loop3A_182 : vector<16xi32>
          %parallel_loop3A_184 = tpu.vector_load_idx %arg5[%parallel_loop3A_174, %parallel_loop3A_183] : memref<64x384xf32, #tpu.memory_space<vmem>>[vector<16xi32>, vector<16xi32>], vector<16xf32>,
          %parallel_loop3A_185 = arith.index_cast %parallel_loop3A_91 : i32 to index
          %parallel_loop3A_186 = arith.constant 80 : index
          %parallel_loop3A_187 = tpu.vector_load %arg7[%parallel_loop3A_185, %parallel_loop3A_186] {strides = array<i32>} : memref<192x128xf32, #tpu.memory_space<vmem>>, vector<16xf32>,
          tpu.vector_store %arg7[%parallel_loop3A_185, %parallel_loop3A_186], %parallel_loop3A_184 {strides = array<i32>} : memref<192x128xf32, #tpu.memory_space<vmem>>, vector<16xf32>,
          %parallel_loop3A_188 = arith.constant 32 : i32
          %parallel_loop3A_189 = vector.broadcast %parallel_loop3A_188 : i32 to vector<16xi32>
          %parallel_loop3A_190 = arith.addi %parallel_loop3A_189, %iota3A : vector<16xi32>
          %parallel_loop3A_191 = arith.constant 0 : i32
          %parallel_loop3A_192 = vector.broadcast %parallel_loop3A_191 : i32 to vector<16xi32>
          %parallel_loop3A_193 = arith.muli %iota3A, %parallel_loop3A_192 : vector<16xi32>
          %parallel_loop3A_194 = arith.constant 2 : i32
          %parallel_loop3A_195 = arith.muli %parallel_loop3A_194, %parallel_loop3A_91 : i32
          %parallel_loop3A_196 = arith.constant 1 : i32
          %parallel_loop3A_197 = arith.addi %parallel_loop3A_195, %parallel_loop3A_196 : i32
          %parallel_loop3A_198 = vector.broadcast %parallel_loop3A_197 : i32 to vector<16xi32>
          %parallel_loop3A_199 = arith.addi %parallel_loop3A_193, %parallel_loop3A_198 : vector<16xi32>
          %parallel_loop3A_200 = tpu.vector_load_idx %arg5[%parallel_loop3A_190, %parallel_loop3A_199] : memref<64x384xf32, #tpu.memory_space<vmem>>[vector<16xi32>, vector<16xi32>], vector<16xf32>,
          %parallel_loop3A_201 = arith.index_cast %parallel_loop3A_91 : i32 to index
          %parallel_loop3A_202 = arith.constant 96 : index
          %parallel_loop3A_203 = tpu.vector_load %arg7[%parallel_loop3A_201, %parallel_loop3A_202] {strides = array<i32>} : memref<192x128xf32, #tpu.memory_space<vmem>>, vector<16xf32>,
          tpu.vector_store %arg7[%parallel_loop3A_201, %parallel_loop3A_202], %parallel_loop3A_200 {strides = array<i32>} : memref<192x128xf32, #tpu.memory_space<vmem>>, vector<16xf32>,
          %parallel_loop3A_204 = arith.constant 48 : i32
          %parallel_loop3A_205 = vector.broadcast %parallel_loop3A_204 : i32 to vector<16xi32>
          %parallel_loop3A_206 = arith.addi %parallel_loop3A_205, %iota3A : vector<16xi32>
          %parallel_loop3A_207 = arith.constant 0 : i32
          %parallel_loop3A_208 = vector.broadcast %parallel_loop3A_207 : i32 to vector<16xi32>
          %parallel_loop3A_209 = arith.muli %iota3A, %parallel_loop3A_208 : vector<16xi32>
          %parallel_loop3A_210 = arith.constant 2 : i32
          %parallel_loop3A_211 = arith.muli %parallel_loop3A_210, %parallel_loop3A_91 : i32
          %parallel_loop3A_212 = arith.constant 1 : i32
          %parallel_loop3A_213 = arith.addi %parallel_loop3A_211, %parallel_loop3A_212 : i32
          %parallel_loop3A_214 = vector.broadcast %parallel_loop3A_213 : i32 to vector<16xi32>
          %parallel_loop3A_215 = arith.addi %parallel_loop3A_209, %parallel_loop3A_214 : vector<16xi32>
          %parallel_loop3A_216 = tpu.vector_load_idx %arg5[%parallel_loop3A_206, %parallel_loop3A_215] : memref<64x384xf32, #tpu.memory_space<vmem>>[vector<16xi32>, vector<16xi32>], vector<16xf32>,
          %parallel_loop3A_217 = arith.index_cast %parallel_loop3A_91 : i32 to index
          %parallel_loop3A_218 = arith.constant 112 : index
          %parallel_loop3A_219 = tpu.vector_load %arg7[%parallel_loop3A_217, %parallel_loop3A_218] {strides = array<i32>} : memref<192x128xf32, #tpu.memory_space<vmem>>, vector<16xf32>,
          tpu.vector_store %arg7[%parallel_loop3A_217, %parallel_loop3A_218], %parallel_loop3A_216 {strides = array<i32>} : memref<192x128xf32, #tpu.memory_space<vmem>>, vector<16xf32>,
        } {sc.loop_unroll_factor = 8 : i64, sc.parallel_access}
        %mul3A_82 = arith.constant 32 : i32
        %mul3A_83 = arith.muli %add3A_35, %mul3A_82 : i32
        %add3A_84 = arith.addi %add3A, %mul3A_83 : i32
        %mul3A_85 = arith.constant 192 : i32
        %mul3A_86 = arith.muli %add3A_84, %mul3A_85 : i32
        %multiple_of3A_87 = tpu.assume_multiple %mul3A_86, 192 : i32
        %dma_start3A = arith.constant 0 : i32
        %dma_start3A_88 = tpu.memref_slice %arg4[%multiple_of3A_87, %dma_start3A] : memref<500000x128xf32, #tpu.memory_space<hbm>> -> memref<192x128xf32, #tpu.memory_space<hbm>>
        %dma_start3A_89 = arith.constant 0 : i32
        %dma_start3A_90 = tpu.memref_slice %arg4[%multiple_of3A_87, %dma_start3A_89] : memref<500000x128xf32, #tpu.memory_space<hbm>> -> memref<192x128xf32, #tpu.memory_space<hbm>>
        tpu.enqueue_dma source(%arg7 : memref<192x128xf32, #tpu.memory_space<vmem>>) target(%dma_start3A_90 : memref<192x128xf32, #tpu.memory_space<hbm>>) target_semaphore(%arg11 : memref<!tpu.dma_semaphore, #tpu.memory_space<semaphore_mem>>)
      } else {
      }
      %mul3A_44 = arith.constant 2 : i32
      %mul3A_45 = arith.muli %add3A_31, %mul3A_44 : i32
      %add3A_46 = arith.constant 1 : i32
      %add3A_47 = arith.addi %mul3A_45, %add3A_46 : i32
      %mul3A_48 = arith.constant 32 : i32
      %mul3A_49 = arith.muli %add3A_47, %mul3A_48 : i32
      %add3A_50 = arith.addi %add3A, %mul3A_49 : i32
      %lt3A_51 = arith.constant 2604 : i32
      %lt3A_52 = arith.cmpi slt, %add3A_50, %lt3A_51 : i32
      %convert_element_type3A_53 = arith.extui %lt3A_52 : i1 to i32
      %cond3A_54 = arith.constant 0 : i32
      %cond3A_55 = arith.cmpi ne, %convert_element_type3A_53, %cond3A_54 : i32
      scf.if %cond3A_55 {
        %mul3A_56 = arith.constant 32 : i32
        %mul3A_57 = arith.muli %add3A_47, %mul3A_56 : i32
        %add3A_58 = arith.addi %add3A, %mul3A_57 : i32
        %mul3A_59 = arith.constant 384 : i32
        %mul3A_60 = arith.muli %add3A_58, %mul3A_59 : i32
        %multiple_of3A_61 = tpu.assume_multiple %mul3A_60, 384 : i32
        %dma_wait3A_62 = arith.constant 0 : i32
        %dma_wait3A_63 = tpu.memref_slice %arg2[%dma_wait3A_62, %multiple_of3A_61] : memref<64x1000000xf32, #tpu.memory_space<hbm>> -> memref<64x384xf32, #tpu.memory_space<hbm>>
        %dma_wait3A_64 = arith.constant 0 : i32
        %dma_wait3A_65 = tpu.memref_slice %arg2[%dma_wait3A_64, %multiple_of3A_61] : memref<64x1000000xf32, #tpu.memory_space<hbm>> -> memref<64x384xf32, #tpu.memory_space<hbm>>
        tpu.wait_dma2 semaphore(%arg10 : memref<!tpu.dma_semaphore, #tpu.memory_space<semaphore_mem>>) src(%dma_wait3A_65 : memref<64x384xf32, #tpu.memory_space<hbm>>) dst(%arg6 : memref<64x384xf32, #tpu.memory_space<vmem>>)
        %add3A_66 = arith.constant 1 : i32
        %add3A_67 = arith.addi %add3A_47, %add3A_66 : i32
        %mul3A_68 = arith.constant 32 : i32
        %mul3A_69 = arith.muli %add3A_67, %mul3A_68 : i32
        %add3A_70 = arith.addi %add3A, %mul3A_69 : i32
        %lt3A_71 = arith.constant 2604 : i32
        %lt3A_72 = arith.cmpi slt, %add3A_70, %lt3A_71 : i32
        %convert_element_type3A_73 = arith.extui %lt3A_72 : i1 to i32
        %cond3A_74 = arith.constant 0 : i32
        %cond3A_75 = arith.cmpi ne, %convert_element_type3A_73, %cond3A_74 : i32
        scf.if %cond3A_75 {
          %add3A_91 = arith.constant 1 : i32
          %add3A_92 = arith.addi %add3A_47, %add3A_91 : i32
          %mul3A_93 = arith.constant 32 : i32
          %mul3A_94 = arith.muli %add3A_92, %mul3A_93 : i32
          %add3A_95 = arith.addi %add3A, %mul3A_94 : i32
          %mul3A_96 = arith.constant 384 : i32
          %mul3A_97 = arith.muli %add3A_95, %mul3A_96 : i32
          %multiple_of3A_98 = tpu.assume_multiple %mul3A_97, 384 : i32
          %dma_start3A_99 = arith.constant 0 : i32
          %dma_start3A_100 = tpu.memref_slice %arg2[%dma_start3A_99, %multiple_of3A_98] : memref<64x1000000xf32, #tpu.memory_space<hbm>> -> memref<64x384xf32, #tpu.memory_space<hbm>>
          %dma_start3A_101 = arith.constant 0 : i32
          %dma_start3A_102 = tpu.memref_slice %arg2[%dma_start3A_101, %multiple_of3A_98] : memref<64x1000000xf32, #tpu.memory_space<hbm>> -> memref<64x384xf32, #tpu.memory_space<hbm>>
          tpu.enqueue_dma source(%dma_start3A_102 : memref<64x384xf32, #tpu.memory_space<hbm>>) target(%arg5 : memref<64x384xf32, #tpu.memory_space<vmem>>) target_semaphore(%arg9 : memref<!tpu.dma_semaphore, #tpu.memory_space<semaphore_mem>>)
        } else {
        }
        %ge3A = arith.constant 2 : i32
        %ge3A_76 = arith.cmpi sge, %add3A_47, %ge3A : i32
        %convert_element_type3A_77 = arith.extui %ge3A_76 : i1 to i32
        %cond3A_78 = arith.constant 0 : i32
        %cond3A_79 = arith.cmpi ne, %convert_element_type3A_77, %cond3A_78 : i32
        scf.if %cond3A_79 {
          %sub3A = arith.constant 2 : i32
          %sub3A_91 = arith.subi %add3A_47, %sub3A : i32
          %mul3A_92 = arith.constant 32 : i32
          %mul3A_93 = arith.muli %sub3A_91, %mul3A_92 : i32
          %add3A_94 = arith.addi %add3A, %mul3A_93 : i32
          %mul3A_95 = arith.constant 192 : i32
          %mul3A_96 = arith.muli %add3A_94, %mul3A_95 : i32
          %multiple_of3A_97 = tpu.assume_multiple %mul3A_96, 192 : i32
          %dma_wait3A_98 = arith.constant 0 : i32
          %dma_wait3A_99 = tpu.memref_slice %arg4[%multiple_of3A_97, %dma_wait3A_98] : memref<500000x128xf32, #tpu.memory_space<hbm>> -> memref<192x128xf32, #tpu.memory_space<hbm>>
          %dma_wait3A_100 = arith.constant 0 : i32
          %dma_wait3A_101 = tpu.memref_slice %arg4[%multiple_of3A_97, %dma_wait3A_100] : memref<500000x128xf32, #tpu.memory_space<hbm>> -> memref<192x128xf32, #tpu.memory_space<hbm>>
          tpu.wait_dma2 semaphore(%arg12 : memref<!tpu.dma_semaphore, #tpu.memory_space<semaphore_mem>>) src(%arg8 : memref<192x128xf32, #tpu.memory_space<vmem>>) dst(%dma_wait3A_101 : memref<192x128xf32, #tpu.memory_space<hbm>>)
        } else {
        }
        %parallel_loop3A = arith.constant 0 : i32
        %parallel_loop3A_80 = arith.constant 192 : i32
        %parallel_loop3A_81 = arith.constant 1 : i32
        scf.for %parallel_loop3A_91 = %parallel_loop3A to %parallel_loop3A_80 step %parallel_loop3A_81  : i32 {
          %parallel_loop3A_92 = arith.constant 0 : i32
          %parallel_loop3A_93 = vector.broadcast %parallel_loop3A_92 : i32 to vector<16xi32>
          %parallel_loop3A_94 = arith.addi %parallel_loop3A_93, %iota3A : vector<16xi32>
          %parallel_loop3A_95 = arith.constant 0 : i32
          %parallel_loop3A_96 = vector.broadcast %parallel_loop3A_95 : i32 to vector<16xi32>
          %parallel_loop3A_97 = arith.muli %iota3A, %parallel_loop3A_96 : vector<16xi32>
          %parallel_loop3A_98 = arith.constant 2 : i32
          %parallel_loop3A_99 = arith.muli %parallel_loop3A_98, %parallel_loop3A_91 : i32
          %parallel_loop3A_100 = arith.constant 0 : i32
          %parallel_loop3A_101 = arith.addi %parallel_loop3A_99, %parallel_loop3A_100 : i32
          %parallel_loop3A_102 = vector.broadcast %parallel_loop3A_101 : i32 to vector<16xi32>
          %parallel_loop3A_103 = arith.addi %parallel_loop3A_97, %parallel_loop3A_102 : vector<16xi32>
          %parallel_loop3A_104 = tpu.vector_load_idx %arg6[%parallel_loop3A_94, %parallel_loop3A_103] : memref<64x384xf32, #tpu.memory_space<vmem>>[vector<16xi32>, vector<16xi32>], vector<16xf32>,
          %parallel_loop3A_105 = arith.index_cast %parallel_loop3A_91 : i32 to index
          %parallel_loop3A_106 = arith.constant 0 : index
          %parallel_loop3A_107 = tpu.vector_load %arg8[%parallel_loop3A_105, %parallel_loop3A_106] {strides = array<i32>} : memref<192x128xf32, #tpu.memory_space<vmem>>, vector<16xf32>,
          tpu.vector_store %arg8[%parallel_loop3A_105, %parallel_loop3A_106], %parallel_loop3A_104 {strides = array<i32>} : memref<192x128xf32, #tpu.memory_space<vmem>>, vector<16xf32>,
          %parallel_loop3A_108 = arith.constant 16 : i32
          %parallel_loop3A_109 = vector.broadcast %parallel_loop3A_108 : i32 to vector<16xi32>
          %parallel_loop3A_110 = arith.addi %parallel_loop3A_109, %iota3A : vector<16xi32>
          %parallel_loop3A_111 = arith.constant 0 : i32
          %parallel_loop3A_112 = vector.broadcast %parallel_loop3A_111 : i32 to vector<16xi32>
          %parallel_loop3A_113 = arith.muli %iota3A, %parallel_loop3A_112 : vector<16xi32>
          %parallel_loop3A_114 = arith.constant 2 : i32
          %parallel_loop3A_115 = arith.muli %parallel_loop3A_114, %parallel_loop3A_91 : i32
          %parallel_loop3A_116 = arith.constant 0 : i32
          %parallel_loop3A_117 = arith.addi %parallel_loop3A_115, %parallel_loop3A_116 : i32
          %parallel_loop3A_118 = vector.broadcast %parallel_loop3A_117 : i32 to vector<16xi32>
          %parallel_loop3A_119 = arith.addi %parallel_loop3A_113, %parallel_loop3A_118 : vector<16xi32>
          %parallel_loop3A_120 = tpu.vector_load_idx %arg6[%parallel_loop3A_110, %parallel_loop3A_119] : memref<64x384xf32, #tpu.memory_space<vmem>>[vector<16xi32>, vector<16xi32>], vector<16xf32>,
          %parallel_loop3A_121 = arith.index_cast %parallel_loop3A_91 : i32 to index
          %parallel_loop3A_122 = arith.constant 16 : index
          %parallel_loop3A_123 = tpu.vector_load %arg8[%parallel_loop3A_121, %parallel_loop3A_122] {strides = array<i32>} : memref<192x128xf32, #tpu.memory_space<vmem>>, vector<16xf32>,
          tpu.vector_store %arg8[%parallel_loop3A_121, %parallel_loop3A_122], %parallel_loop3A_120 {strides = array<i32>} : memref<192x128xf32, #tpu.memory_space<vmem>>, vector<16xf32>,
          %parallel_loop3A_124 = arith.constant 32 : i32
          %parallel_loop3A_125 = vector.broadcast %parallel_loop3A_124 : i32 to vector<16xi32>
          %parallel_loop3A_126 = arith.addi %parallel_loop3A_125, %iota3A : vector<16xi32>
          %parallel_loop3A_127 = arith.constant 0 : i32
          %parallel_loop3A_128 = vector.broadcast %parallel_loop3A_127 : i32 to vector<16xi32>
          %parallel_loop3A_129 = arith.muli %iota3A, %parallel_loop3A_128 : vector<16xi32>
          %parallel_loop3A_130 = arith.constant 2 : i32
          %parallel_loop3A_131 = arith.muli %parallel_loop3A_130, %parallel_loop3A_91 : i32
          %parallel_loop3A_132 = arith.constant 0 : i32
          %parallel_loop3A_133 = arith.addi %parallel_loop3A_131, %parallel_loop3A_132 : i32
          %parallel_loop3A_134 = vector.broadcast %parallel_loop3A_133 : i32 to vector<16xi32>
          %parallel_loop3A_135 = arith.addi %parallel_loop3A_129, %parallel_loop3A_134 : vector<16xi32>
          %parallel_loop3A_136 = tpu.vector_load_idx %arg6[%parallel_loop3A_126, %parallel_loop3A_135] : memref<64x384xf32, #tpu.memory_space<vmem>>[vector<16xi32>, vector<16xi32>], vector<16xf32>,
          %parallel_loop3A_137 = arith.index_cast %parallel_loop3A_91 : i32 to index
          %parallel_loop3A_138 = arith.constant 32 : index
          %parallel_loop3A_139 = tpu.vector_load %arg8[%parallel_loop3A_137, %parallel_loop3A_138] {strides = array<i32>} : memref<192x128xf32, #tpu.memory_space<vmem>>, vector<16xf32>,
          tpu.vector_store %arg8[%parallel_loop3A_137, %parallel_loop3A_138], %parallel_loop3A_136 {strides = array<i32>} : memref<192x128xf32, #tpu.memory_space<vmem>>, vector<16xf32>,
          %parallel_loop3A_140 = arith.constant 48 : i32
          %parallel_loop3A_141 = vector.broadcast %parallel_loop3A_140 : i32 to vector<16xi32>
          %parallel_loop3A_142 = arith.addi %parallel_loop3A_141, %iota3A : vector<16xi32>
          %parallel_loop3A_143 = arith.constant 0 : i32
          %parallel_loop3A_144 = vector.broadcast %parallel_loop3A_143 : i32 to vector<16xi32>
          %parallel_loop3A_145 = arith.muli %iota3A, %parallel_loop3A_144 : vector<16xi32>
          %parallel_loop3A_146 = arith.constant 2 : i32
          %parallel_loop3A_147 = arith.muli %parallel_loop3A_146, %parallel_loop3A_91 : i32
          %parallel_loop3A_148 = arith.constant 0 : i32
          %parallel_loop3A_149 = arith.addi %parallel_loop3A_147, %parallel_loop3A_148 : i32
          %parallel_loop3A_150 = vector.broadcast %parallel_loop3A_149 : i32 to vector<16xi32>
          %parallel_loop3A_151 = arith.addi %parallel_loop3A_145, %parallel_loop3A_150 : vector<16xi32>
          %parallel_loop3A_152 = tpu.vector_load_idx %arg6[%parallel_loop3A_142, %parallel_loop3A_151] : memref<64x384xf32, #tpu.memory_space<vmem>>[vector<16xi32>, vector<16xi32>], vector<16xf32>,
          %parallel_loop3A_153 = arith.index_cast %parallel_loop3A_91 : i32 to index
          %parallel_loop3A_154 = arith.constant 48 : index
          %parallel_loop3A_155 = tpu.vector_load %arg8[%parallel_loop3A_153, %parallel_loop3A_154] {strides = array<i32>} : memref<192x128xf32, #tpu.memory_space<vmem>>, vector<16xf32>,
          tpu.vector_store %arg8[%parallel_loop3A_153, %parallel_loop3A_154], %parallel_loop3A_152 {strides = array<i32>} : memref<192x128xf32, #tpu.memory_space<vmem>>, vector<16xf32>,
          %parallel_loop3A_156 = arith.constant 0 : i32
          %parallel_loop3A_157 = vector.broadcast %parallel_loop3A_156 : i32 to vector<16xi32>
          %parallel_loop3A_158 = arith.addi %parallel_loop3A_157, %iota3A : vector<16xi32>
          %parallel_loop3A_159 = arith.constant 0 : i32
          %parallel_loop3A_160 = vector.broadcast %parallel_loop3A_159 : i32 to vector<16xi32>
          %parallel_loop3A_161 = arith.muli %iota3A, %parallel_loop3A_160 : vector<16xi32>
          %parallel_loop3A_162 = arith.constant 2 : i32
          %parallel_loop3A_163 = arith.muli %parallel_loop3A_162, %parallel_loop3A_91 : i32
          %parallel_loop3A_164 = arith.constant 1 : i32
          %parallel_loop3A_165 = arith.addi %parallel_loop3A_163, %parallel_loop3A_164 : i32
          %parallel_loop3A_166 = vector.broadcast %parallel_loop3A_165 : i32 to vector<16xi32>
          %parallel_loop3A_167 = arith.addi %parallel_loop3A_161, %parallel_loop3A_166 : vector<16xi32>
          %parallel_loop3A_168 = tpu.vector_load_idx %arg6[%parallel_loop3A_158, %parallel_loop3A_167] : memref<64x384xf32, #tpu.memory_space<vmem>>[vector<16xi32>, vector<16xi32>], vector<16xf32>,
          %parallel_loop3A_169 = arith.index_cast %parallel_loop3A_91 : i32 to index
          %parallel_loop3A_170 = arith.constant 64 : index
          %parallel_loop3A_171 = tpu.vector_load %arg8[%parallel_loop3A_169, %parallel_loop3A_170] {strides = array<i32>} : memref<192x128xf32, #tpu.memory_space<vmem>>, vector<16xf32>,
          tpu.vector_store %arg8[%parallel_loop3A_169, %parallel_loop3A_170], %parallel_loop3A_168 {strides = array<i32>} : memref<192x128xf32, #tpu.memory_space<vmem>>, vector<16xf32>,
          %parallel_loop3A_172 = arith.constant 16 : i32
          %parallel_loop3A_173 = vector.broadcast %parallel_loop3A_172 : i32 to vector<16xi32>
          %parallel_loop3A_174 = arith.addi %parallel_loop3A_173, %iota3A : vector<16xi32>
          %parallel_loop3A_175 = arith.constant 0 : i32
          %parallel_loop3A_176 = vector.broadcast %parallel_loop3A_175 : i32 to vector<16xi32>
          %parallel_loop3A_177 = arith.muli %iota3A, %parallel_loop3A_176 : vector<16xi32>
          %parallel_loop3A_178 = arith.constant 2 : i32
          %parallel_loop3A_179 = arith.muli %parallel_loop3A_178, %parallel_loop3A_91 : i32
          %parallel_loop3A_180 = arith.constant 1 : i32
          %parallel_loop3A_181 = arith.addi %parallel_loop3A_179, %parallel_loop3A_180 : i32
          %parallel_loop3A_182 = vector.broadcast %parallel_loop3A_181 : i32 to vector<16xi32>
          %parallel_loop3A_183 = arith.addi %parallel_loop3A_177, %parallel_loop3A_182 : vector<16xi32>
          %parallel_loop3A_184 = tpu.vector_load_idx %arg6[%parallel_loop3A_174, %parallel_loop3A_183] : memref<64x384xf32, #tpu.memory_space<vmem>>[vector<16xi32>, vector<16xi32>], vector<16xf32>,
          %parallel_loop3A_185 = arith.index_cast %parallel_loop3A_91 : i32 to index
          %parallel_loop3A_186 = arith.constant 80 : index
          %parallel_loop3A_187 = tpu.vector_load %arg8[%parallel_loop3A_185, %parallel_loop3A_186] {strides = array<i32>} : memref<192x128xf32, #tpu.memory_space<vmem>>, vector<16xf32>,
          tpu.vector_store %arg8[%parallel_loop3A_185, %parallel_loop3A_186], %parallel_loop3A_184 {strides = array<i32>} : memref<192x128xf32, #tpu.memory_space<vmem>>, vector<16xf32>,
          %parallel_loop3A_188 = arith.constant 32 : i32
          %parallel_loop3A_189 = vector.broadcast %parallel_loop3A_188 : i32 to vector<16xi32>
          %parallel_loop3A_190 = arith.addi %parallel_loop3A_189, %iota3A : vector<16xi32>
          %parallel_loop3A_191 = arith.constant 0 : i32
          %parallel_loop3A_192 = vector.broadcast %parallel_loop3A_191 : i32 to vector<16xi32>
          %parallel_loop3A_193 = arith.muli %iota3A, %parallel_loop3A_192 : vector<16xi32>
          %parallel_loop3A_194 = arith.constant 2 : i32
          %parallel_loop3A_195 = arith.muli %parallel_loop3A_194, %parallel_loop3A_91 : i32
          %parallel_loop3A_196 = arith.constant 1 : i32
          %parallel_loop3A_197 = arith.addi %parallel_loop3A_195, %parallel_loop3A_196 : i32
          %parallel_loop3A_198 = vector.broadcast %parallel_loop3A_197 : i32 to vector<16xi32>
          %parallel_loop3A_199 = arith.addi %parallel_loop3A_193, %parallel_loop3A_198 : vector<16xi32>
          %parallel_loop3A_200 = tpu.vector_load_idx %arg6[%parallel_loop3A_190, %parallel_loop3A_199] : memref<64x384xf32, #tpu.memory_space<vmem>>[vector<16xi32>, vector<16xi32>], vector<16xf32>,
          %parallel_loop3A_201 = arith.index_cast %parallel_loop3A_91 : i32 to index
          %parallel_loop3A_202 = arith.constant 96 : index
          %parallel_loop3A_203 = tpu.vector_load %arg8[%parallel_loop3A_201, %parallel_loop3A_202] {strides = array<i32>} : memref<192x128xf32, #tpu.memory_space<vmem>>, vector<16xf32>,
          tpu.vector_store %arg8[%parallel_loop3A_201, %parallel_loop3A_202], %parallel_loop3A_200 {strides = array<i32>} : memref<192x128xf32, #tpu.memory_space<vmem>>, vector<16xf32>,
          %parallel_loop3A_204 = arith.constant 48 : i32
          %parallel_loop3A_205 = vector.broadcast %parallel_loop3A_204 : i32 to vector<16xi32>
          %parallel_loop3A_206 = arith.addi %parallel_loop3A_205, %iota3A : vector<16xi32>
          %parallel_loop3A_207 = arith.constant 0 : i32
          %parallel_loop3A_208 = vector.broadcast %parallel_loop3A_207 : i32 to vector<16xi32>
          %parallel_loop3A_209 = arith.muli %iota3A, %parallel_loop3A_208 : vector<16xi32>
          %parallel_loop3A_210 = arith.constant 2 : i32
          %parallel_loop3A_211 = arith.muli %parallel_loop3A_210, %parallel_loop3A_91 : i32
          %parallel_loop3A_212 = arith.constant 1 : i32
          %parallel_loop3A_213 = arith.addi %parallel_loop3A_211, %parallel_loop3A_212 : i32
          %parallel_loop3A_214 = vector.broadcast %parallel_loop3A_213 : i32 to vector<16xi32>
          %parallel_loop3A_215 = arith.addi %parallel_loop3A_209, %parallel_loop3A_214 : vector<16xi32>
          %parallel_loop3A_216 = tpu.vector_load_idx %arg6[%parallel_loop3A_206, %parallel_loop3A_215] : memref<64x384xf32, #tpu.memory_space<vmem>>[vector<16xi32>, vector<16xi32>], vector<16xf32>,
          %parallel_loop3A_217 = arith.index_cast %parallel_loop3A_91 : i32 to index
          %parallel_loop3A_218 = arith.constant 112 : index
          %parallel_loop3A_219 = tpu.vector_load %arg8[%parallel_loop3A_217, %parallel_loop3A_218] {strides = array<i32>} : memref<192x128xf32, #tpu.memory_space<vmem>>, vector<16xf32>,
          tpu.vector_store %arg8[%parallel_loop3A_217, %parallel_loop3A_218], %parallel_loop3A_216 {strides = array<i32>} : memref<192x128xf32, #tpu.memory_space<vmem>>, vector<16xf32>,
        } {sc.loop_unroll_factor = 8 : i64, sc.parallel_access}
        %mul3A_82 = arith.constant 32 : i32
        %mul3A_83 = arith.muli %add3A_47, %mul3A_82 : i32
        %add3A_84 = arith.addi %add3A, %mul3A_83 : i32
        %mul3A_85 = arith.constant 192 : i32
        %mul3A_86 = arith.muli %add3A_84, %mul3A_85 : i32
        %multiple_of3A_87 = tpu.assume_multiple %mul3A_86, 192 : i32
        %dma_start3A = arith.constant 0 : i32
        %dma_start3A_88 = tpu.memref_slice %arg4[%multiple_of3A_87, %dma_start3A] : memref<500000x128xf32, #tpu.memory_space<hbm>> -> memref<192x128xf32, #tpu.memory_space<hbm>>
        %dma_start3A_89 = arith.constant 0 : i32
        %dma_start3A_90 = tpu.memref_slice %arg4[%multiple_of3A_87, %dma_start3A_89] : memref<500000x128xf32, #tpu.memory_space<hbm>> -> memref<192x128xf32, #tpu.memory_space<hbm>>
        tpu.enqueue_dma source(%arg8 : memref<192x128xf32, #tpu.memory_space<vmem>>) target(%dma_start3A_90 : memref<192x128xf32, #tpu.memory_space<hbm>>) target_semaphore(%arg12 : memref<!tpu.dma_semaphore, #tpu.memory_space<semaphore_mem>>)
      } else {
      }
    }
    %scan3A_6 = arith.constant 41 : i32
    %add3A_7 = arith.constant 0 : i32
    %add3A_8 = arith.addi %add3A, %add3A_7 : i32
    %mul3A_9 = arith.constant 192 : i32
    %mul3A_10 = arith.muli %add3A_8, %mul3A_9 : i32
    %multiple_of3A = tpu.assume_multiple %mul3A_10, 192 : i32
    %dma_wait3A = arith.constant 0 : i32
    %dma_wait3A_11 = tpu.memref_slice %arg4[%multiple_of3A, %dma_wait3A] : memref<500000x128xf32, #tpu.memory_space<hbm>> -> memref<192x128xf32, #tpu.memory_space<hbm>>
    %dma_wait3A_12 = arith.constant 0 : i32
    %dma_wait3A_13 = tpu.memref_slice %arg4[%multiple_of3A, %dma_wait3A_12] : memref<500000x128xf32, #tpu.memory_space<hbm>> -> memref<192x128xf32, #tpu.memory_space<hbm>>
    tpu.wait_dma2 semaphore(%arg11 : memref<!tpu.dma_semaphore, #tpu.memory_space<semaphore_mem>>) src(%arg7 : memref<192x128xf32, #tpu.memory_space<vmem>>) dst(%dma_wait3A_13 : memref<192x128xf32, #tpu.memory_space<hbm>>)
    %add3A_14 = arith.constant 0 : i32
    %add3A_15 = arith.addi %add3A, %add3A_14 : i32
    %mul3A_16 = arith.constant 192 : i32
    %mul3A_17 = arith.muli %add3A_15, %mul3A_16 : i32
    %multiple_of3A_18 = tpu.assume_multiple %mul3A_17, 192 : i32
    %dma_wait3A_19 = arith.constant 0 : i32
    %dma_wait3A_20 = tpu.memref_slice %arg4[%multiple_of3A_18, %dma_wait3A_19] : memref<500000x128xf32, #tpu.memory_space<hbm>> -> memref<192x128xf32, #tpu.memory_space<hbm>>
    %dma_wait3A_21 = arith.constant 0 : i32
    %dma_wait3A_22 = tpu.memref_slice %arg4[%multiple_of3A_18, %dma_wait3A_21] : memref<500000x128xf32, #tpu.memory_space<hbm>> -> memref<192x128xf32, #tpu.memory_space<hbm>>
    tpu.wait_dma2 semaphore(%arg12 : memref<!tpu.dma_semaphore, #tpu.memory_space<semaphore_mem>>) src(%arg8 : memref<192x128xf32, #tpu.memory_space<vmem>>) dst(%dma_wait3A_22 : memref<192x128xf32, #tpu.memory_space<hbm>>)
    %eq3A = arith.constant 0 : i32
    %eq3A_23 = arith.cmpi eq, %add3A, %eq3A : i32
    %convert_element_type3A_24 = arith.extui %eq3A_23 : i1 to i32
    %cond3A_25 = arith.constant 0 : i32
    %cond3A_26 = arith.cmpi ne, %convert_element_type3A_24, %cond3A_25 : i32
    scf.if %cond3A_26 {
      "tpu.region"() ({
        %run_scoped3A = tpu.sem_alloc : memref<!tpu.dma_semaphore, #tpu.memory_space<semaphore_mem>>
        %dma_start3A = arith.constant 0 : i32
        %dma_start3A_29 = arith.constant 0 : i32
        %dma_start3A_30 = tpu.memref_slice %arg5[%dma_start3A, %dma_start3A_29] : memref<64x384xf32, #tpu.memory_space<vmem>> -> memref<64x128xf32, #tpu.memory_space<vmem>>
        %dma_start3A_31 = arith.constant 0 : i32
        %dma_start3A_32 = arith.constant 0 : i32
        %dma_start3A_33 = tpu.memref_slice %arg5[%dma_start3A_31, %dma_start3A_32] : memref<64x384xf32, #tpu.memory_space<vmem>> -> memref<64x128xf32, #tpu.memory_space<vmem>>
        tpu.enqueue_dma source(%arg3 : memref<64x128xf32, #tpu.memory_space<hbm>>) target(%dma_start3A_33 : memref<64x128xf32, #tpu.memory_space<vmem>>) target_semaphore(%run_scoped3A : memref<!tpu.dma_semaphore, #tpu.memory_space<semaphore_mem>>)
        %dma_wait3A_34 = arith.constant 0 : i32
        %dma_wait3A_35 = arith.constant 0 : i32
        %dma_wait3A_36 = tpu.memref_slice %arg5[%dma_wait3A_34, %dma_wait3A_35] : memref<64x384xf32, #tpu.memory_space<vmem>> -> memref<64x128xf32, #tpu.memory_space<vmem>>
        %dma_wait3A_37 = arith.constant 0 : i32
        %dma_wait3A_38 = arith.constant 0 : i32
        %dma_wait3A_39 = tpu.memref_slice %arg5[%dma_wait3A_37, %dma_wait3A_38] : memref<64x384xf32, #tpu.memory_space<vmem>> -> memref<64x128xf32, #tpu.memory_space<vmem>>
        tpu.wait_dma2 semaphore(%run_scoped3A : memref<!tpu.dma_semaphore, #tpu.memory_space<semaphore_mem>>) src(%arg3 : memref<64x128xf32, #tpu.memory_space<hbm>>) dst(%dma_wait3A_39 : memref<64x128xf32, #tpu.memory_space<vmem>>)
        tpu.yield
      }) : () -> ()
      %parallel_loop3A = arith.constant 0 : i32
      %parallel_loop3A_27 = arith.constant 32 : i32
      %parallel_loop3A_28 = arith.constant 1 : i32
      scf.for %parallel_loop3A_29 = %parallel_loop3A to %parallel_loop3A_27 step %parallel_loop3A_28  : i32 {
        %parallel_loop3A_30 = arith.constant 0 : i32
        %parallel_loop3A_31 = vector.broadcast %parallel_loop3A_30 : i32 to vector<16xi32>
        %parallel_loop3A_32 = arith.addi %parallel_loop3A_31, %iota3A : vector<16xi32>
        %parallel_loop3A_33 = arith.constant 0 : i32
        %parallel_loop3A_34 = vector.broadcast %parallel_loop3A_33 : i32 to vector<16xi32>
        %parallel_loop3A_35 = arith.muli %iota3A, %parallel_loop3A_34 : vector<16xi32>
        %parallel_loop3A_36 = arith.constant 2 : i32
        %parallel_loop3A_37 = arith.muli %parallel_loop3A_36, %parallel_loop3A_29 : i32
        %parallel_loop3A_38 = arith.constant 0 : i32
        %parallel_loop3A_39 = arith.addi %parallel_loop3A_37, %parallel_loop3A_38 : i32
        %parallel_loop3A_40 = vector.broadcast %parallel_loop3A_39 : i32 to vector<16xi32>
        %parallel_loop3A_41 = arith.addi %parallel_loop3A_35, %parallel_loop3A_40 : vector<16xi32>
        %parallel_loop3A_42 = tpu.vector_load_idx %arg5[%parallel_loop3A_32, %parallel_loop3A_41] : memref<64x384xf32, #tpu.memory_space<vmem>>[vector<16xi32>, vector<16xi32>], vector<16xf32>,
        %parallel_loop3A_43 = arith.index_cast %parallel_loop3A_29 : i32 to index
        %parallel_loop3A_44 = arith.constant 0 : index
        %parallel_loop3A_45 = tpu.vector_load %arg7[%parallel_loop3A_43, %parallel_loop3A_44] {strides = array<i32>} : memref<192x128xf32, #tpu.memory_space<vmem>>, vector<16xf32>,
        tpu.vector_store %arg7[%parallel_loop3A_43, %parallel_loop3A_44], %parallel_loop3A_42 {strides = array<i32>} : memref<192x128xf32, #tpu.memory_space<vmem>>, vector<16xf32>,
        %parallel_loop3A_46 = arith.constant 16 : i32
        %parallel_loop3A_47 = vector.broadcast %parallel_loop3A_46 : i32 to vector<16xi32>
        %parallel_loop3A_48 = arith.addi %parallel_loop3A_47, %iota3A : vector<16xi32>
        %parallel_loop3A_49 = arith.constant 0 : i32
        %parallel_loop3A_50 = vector.broadcast %parallel_loop3A_49 : i32 to vector<16xi32>
        %parallel_loop3A_51 = arith.muli %iota3A, %parallel_loop3A_50 : vector<16xi32>
        %parallel_loop3A_52 = arith.constant 2 : i32
        %parallel_loop3A_53 = arith.muli %parallel_loop3A_52, %parallel_loop3A_29 : i32
        %parallel_loop3A_54 = arith.constant 0 : i32
        %parallel_loop3A_55 = arith.addi %parallel_loop3A_53, %parallel_loop3A_54 : i32
        %parallel_loop3A_56 = vector.broadcast %parallel_loop3A_55 : i32 to vector<16xi32>
        %parallel_loop3A_57 = arith.addi %parallel_loop3A_51, %parallel_loop3A_56 : vector<16xi32>
        %parallel_loop3A_58 = tpu.vector_load_idx %arg5[%parallel_loop3A_48, %parallel_loop3A_57] : memref<64x384xf32, #tpu.memory_space<vmem>>[vector<16xi32>, vector<16xi32>], vector<16xf32>,
        %parallel_loop3A_59 = arith.index_cast %parallel_loop3A_29 : i32 to index
        %parallel_loop3A_60 = arith.constant 16 : index
        %parallel_loop3A_61 = tpu.vector_load %arg7[%parallel_loop3A_59, %parallel_loop3A_60] {strides = array<i32>} : memref<192x128xf32, #tpu.memory_space<vmem>>, vector<16xf32>,
        tpu.vector_store %arg7[%parallel_loop3A_59, %parallel_loop3A_60], %parallel_loop3A_58 {strides = array<i32>} : memref<192x128xf32, #tpu.memory_space<vmem>>, vector<16xf32>,
        %parallel_loop3A_62 = arith.constant 32 : i32
        %parallel_loop3A_63 = vector.broadcast %parallel_loop3A_62 : i32 to vector<16xi32>
        %parallel_loop3A_64 = arith.addi %parallel_loop3A_63, %iota3A : vector<16xi32>
        %parallel_loop3A_65 = arith.constant 0 : i32
        %parallel_loop3A_66 = vector.broadcast %parallel_loop3A_65 : i32 to vector<16xi32>
        %parallel_loop3A_67 = arith.muli %iota3A, %parallel_loop3A_66 : vector<16xi32>
        %parallel_loop3A_68 = arith.constant 2 : i32
        %parallel_loop3A_69 = arith.muli %parallel_loop3A_68, %parallel_loop3A_29 : i32
        %parallel_loop3A_70 = arith.constant 0 : i32
        %parallel_loop3A_71 = arith.addi %parallel_loop3A_69, %parallel_loop3A_70 : i32
        %parallel_loop3A_72 = vector.broadcast %parallel_loop3A_71 : i32 to vector<16xi32>
        %parallel_loop3A_73 = arith.addi %parallel_loop3A_67, %parallel_loop3A_72 : vector<16xi32>
        %parallel_loop3A_74 = tpu.vector_load_idx %arg5[%parallel_loop3A_64, %parallel_loop3A_73] : memref<64x384xf32, #tpu.memory_space<vmem>>[vector<16xi32>, vector<16xi32>], vector<16xf32>,
        %parallel_loop3A_75 = arith.index_cast %parallel_loop3A_29 : i32 to index
        %parallel_loop3A_76 = arith.constant 32 : index
        %parallel_loop3A_77 = tpu.vector_load %arg7[%parallel_loop3A_75, %parallel_loop3A_76] {strides = array<i32>} : memref<192x128xf32, #tpu.memory_space<vmem>>, vector<16xf32>,
        tpu.vector_store %arg7[%parallel_loop3A_75, %parallel_loop3A_76], %parallel_loop3A_74 {strides = array<i32>} : memref<192x128xf32, #tpu.memory_space<vmem>>, vector<16xf32>,
        %parallel_loop3A_78 = arith.constant 48 : i32
        %parallel_loop3A_79 = vector.broadcast %parallel_loop3A_78 : i32 to vector<16xi32>
        %parallel_loop3A_80 = arith.addi %parallel_loop3A_79, %iota3A : vector<16xi32>
        %parallel_loop3A_81 = arith.constant 0 : i32
        %parallel_loop3A_82 = vector.broadcast %parallel_loop3A_81 : i32 to vector<16xi32>
        %parallel_loop3A_83 = arith.muli %iota3A, %parallel_loop3A_82 : vector<16xi32>
        %parallel_loop3A_84 = arith.constant 2 : i32
        %parallel_loop3A_85 = arith.muli %parallel_loop3A_84, %parallel_loop3A_29 : i32
        %parallel_loop3A_86 = arith.constant 0 : i32
        %parallel_loop3A_87 = arith.addi %parallel_loop3A_85, %parallel_loop3A_86 : i32
        %parallel_loop3A_88 = vector.broadcast %parallel_loop3A_87 : i32 to vector<16xi32>
        %parallel_loop3A_89 = arith.addi %parallel_loop3A_83, %parallel_loop3A_88 : vector<16xi32>
        %parallel_loop3A_90 = tpu.vector_load_idx %arg5[%parallel_loop3A_80, %parallel_loop3A_89] : memref<64x384xf32, #tpu.memory_space<vmem>>[vector<16xi32>, vector<16xi32>], vector<16xf32>,
        %parallel_loop3A_91 = arith.index_cast %parallel_loop3A_29 : i32 to index
        %parallel_loop3A_92 = arith.constant 48 : index
        %parallel_loop3A_93 = tpu.vector_load %arg7[%parallel_loop3A_91, %parallel_loop3A_92] {strides = array<i32>} : memref<192x128xf32, #tpu.memory_space<vmem>>, vector<16xf32>,
        tpu.vector_store %arg7[%parallel_loop3A_91, %parallel_loop3A_92], %parallel_loop3A_90 {strides = array<i32>} : memref<192x128xf32, #tpu.memory_space<vmem>>, vector<16xf32>,
        %parallel_loop3A_94 = arith.constant 0 : i32
        %parallel_loop3A_95 = vector.broadcast %parallel_loop3A_94 : i32 to vector<16xi32>
        %parallel_loop3A_96 = arith.addi %parallel_loop3A_95, %iota3A : vector<16xi32>
        %parallel_loop3A_97 = arith.constant 0 : i32
        %parallel_loop3A_98 = vector.broadcast %parallel_loop3A_97 : i32 to vector<16xi32>
        %parallel_loop3A_99 = arith.muli %iota3A, %parallel_loop3A_98 : vector<16xi32>
        %parallel_loop3A_100 = arith.constant 2 : i32
        %parallel_loop3A_101 = arith.muli %parallel_loop3A_100, %parallel_loop3A_29 : i32
        %parallel_loop3A_102 = arith.constant 1 : i32
        %parallel_loop3A_103 = arith.addi %parallel_loop3A_101, %parallel_loop3A_102 : i32
        %parallel_loop3A_104 = vector.broadcast %parallel_loop3A_103 : i32 to vector<16xi32>
        %parallel_loop3A_105 = arith.addi %parallel_loop3A_99, %parallel_loop3A_104 : vector<16xi32>
        %parallel_loop3A_106 = tpu.vector_load_idx %arg5[%parallel_loop3A_96, %parallel_loop3A_105] : memref<64x384xf32, #tpu.memory_space<vmem>>[vector<16xi32>, vector<16xi32>], vector<16xf32>,
        %parallel_loop3A_107 = arith.index_cast %parallel_loop3A_29 : i32 to index
        %parallel_loop3A_108 = arith.constant 64 : index
        %parallel_loop3A_109 = tpu.vector_load %arg7[%parallel_loop3A_107, %parallel_loop3A_108] {strides = array<i32>} : memref<192x128xf32, #tpu.memory_space<vmem>>, vector<16xf32>,
        tpu.vector_store %arg7[%parallel_loop3A_107, %parallel_loop3A_108], %parallel_loop3A_106 {strides = array<i32>} : memref<192x128xf32, #tpu.memory_space<vmem>>, vector<16xf32>,
        %parallel_loop3A_110 = arith.constant 16 : i32
        %parallel_loop3A_111 = vector.broadcast %parallel_loop3A_110 : i32 to vector<16xi32>
        %parallel_loop3A_112 = arith.addi %parallel_loop3A_111, %iota3A : vector<16xi32>
        %parallel_loop3A_113 = arith.constant 0 : i32
        %parallel_loop3A_114 = vector.broadcast %parallel_loop3A_113 : i32 to vector<16xi32>
        %parallel_loop3A_115 = arith.muli %iota3A, %parallel_loop3A_114 : vector<16xi32>
        %parallel_loop3A_116 = arith.constant 2 : i32
        %parallel_loop3A_117 = arith.muli %parallel_loop3A_116, %parallel_loop3A_29 : i32
        %parallel_loop3A_118 = arith.constant 1 : i32
        %parallel_loop3A_119 = arith.addi %parallel_loop3A_117, %parallel_loop3A_118 : i32
        %parallel_loop3A_120 = vector.broadcast %parallel_loop3A_119 : i32 to vector<16xi32>
        %parallel_loop3A_121 = arith.addi %parallel_loop3A_115, %parallel_loop3A_120 : vector<16xi32>
        %parallel_loop3A_122 = tpu.vector_load_idx %arg5[%parallel_loop3A_112, %parallel_loop3A_121] : memref<64x384xf32, #tpu.memory_space<vmem>>[vector<16xi32>, vector<16xi32>], vector<16xf32>,
        %parallel_loop3A_123 = arith.index_cast %parallel_loop3A_29 : i32 to index
        %parallel_loop3A_124 = arith.constant 80 : index
        %parallel_loop3A_125 = tpu.vector_load %arg7[%parallel_loop3A_123, %parallel_loop3A_124] {strides = array<i32>} : memref<192x128xf32, #tpu.memory_space<vmem>>, vector<16xf32>,
        tpu.vector_store %arg7[%parallel_loop3A_123, %parallel_loop3A_124], %parallel_loop3A_122 {strides = array<i32>} : memref<192x128xf32, #tpu.memory_space<vmem>>, vector<16xf32>,
        %parallel_loop3A_126 = arith.constant 32 : i32
        %parallel_loop3A_127 = vector.broadcast %parallel_loop3A_126 : i32 to vector<16xi32>
        %parallel_loop3A_128 = arith.addi %parallel_loop3A_127, %iota3A : vector<16xi32>
        %parallel_loop3A_129 = arith.constant 0 : i32
        %parallel_loop3A_130 = vector.broadcast %parallel_loop3A_129 : i32 to vector<16xi32>
        %parallel_loop3A_131 = arith.muli %iota3A, %parallel_loop3A_130 : vector<16xi32>
        %parallel_loop3A_132 = arith.constant 2 : i32
        %parallel_loop3A_133 = arith.muli %parallel_loop3A_132, %parallel_loop3A_29 : i32
        %parallel_loop3A_134 = arith.constant 1 : i32
        %parallel_loop3A_135 = arith.addi %parallel_loop3A_133, %parallel_loop3A_134 : i32
        %parallel_loop3A_136 = vector.broadcast %parallel_loop3A_135 : i32 to vector<16xi32>
        %parallel_loop3A_137 = arith.addi %parallel_loop3A_131, %parallel_loop3A_136 : vector<16xi32>
        %parallel_loop3A_138 = tpu.vector_load_idx %arg5[%parallel_loop3A_128, %parallel_loop3A_137] : memref<64x384xf32, #tpu.memory_space<vmem>>[vector<16xi32>, vector<16xi32>], vector<16xf32>,
        %parallel_loop3A_139 = arith.index_cast %parallel_loop3A_29 : i32 to index
        %parallel_loop3A_140 = arith.constant 96 : index
        %parallel_loop3A_141 = tpu.vector_load %arg7[%parallel_loop3A_139, %parallel_loop3A_140] {strides = array<i32>} : memref<192x128xf32, #tpu.memory_space<vmem>>, vector<16xf32>,
        tpu.vector_store %arg7[%parallel_loop3A_139, %parallel_loop3A_140], %parallel_loop3A_138 {strides = array<i32>} : memref<192x128xf32, #tpu.memory_space<vmem>>, vector<16xf32>,
        %parallel_loop3A_142 = arith.constant 48 : i32
        %parallel_loop3A_143 = vector.broadcast %parallel_loop3A_142 : i32 to vector<16xi32>
        %parallel_loop3A_144 = arith.addi %parallel_loop3A_143, %iota3A : vector<16xi32>
        %parallel_loop3A_145 = arith.constant 0 : i32
        %parallel_loop3A_146 = vector.broadcast %parallel_loop3A_145 : i32 to vector<16xi32>
        %parallel_loop3A_147 = arith.muli %iota3A, %parallel_loop3A_146 : vector<16xi32>
        %parallel_loop3A_148 = arith.constant 2 : i32
        %parallel_loop3A_149 = arith.muli %parallel_loop3A_148, %parallel_loop3A_29 : i32
        %parallel_loop3A_150 = arith.constant 1 : i32
        %parallel_loop3A_151 = arith.addi %parallel_loop3A_149, %parallel_loop3A_150 : i32
        %parallel_loop3A_152 = vector.broadcast %parallel_loop3A_151 : i32 to vector<16xi32>
        %parallel_loop3A_153 = arith.addi %parallel_loop3A_147, %parallel_loop3A_152 : vector<16xi32>
        %parallel_loop3A_154 = tpu.vector_load_idx %arg5[%parallel_loop3A_144, %parallel_loop3A_153] : memref<64x384xf32, #tpu.memory_space<vmem>>[vector<16xi32>, vector<16xi32>], vector<16xf32>,
        %parallel_loop3A_155 = arith.index_cast %parallel_loop3A_29 : i32 to index
        %parallel_loop3A_156 = arith.constant 112 : index
        %parallel_loop3A_157 = tpu.vector_load %arg7[%parallel_loop3A_155, %parallel_loop3A_156] {strides = array<i32>} : memref<192x128xf32, #tpu.memory_space<vmem>>, vector<16xf32>,
        tpu.vector_store %arg7[%parallel_loop3A_155, %parallel_loop3A_156], %parallel_loop3A_154 {strides = array<i32>} : memref<192x128xf32, #tpu.memory_space<vmem>>, vector<16xf32>,
      } {sc.loop_unroll_factor = 8 : i64, sc.parallel_access}
      "tpu.region"() ({
        %run_scoped3A = tpu.sem_alloc : memref<!tpu.dma_semaphore, #tpu.memory_space<semaphore_mem>>
        %dma_start3A = arith.constant 0 : i32
        %dma_start3A_29 = arith.constant 0 : i32
        %dma_start3A_30 = tpu.memref_slice %arg7[%dma_start3A, %dma_start3A_29] : memref<192x128xf32, #tpu.memory_space<vmem>> -> memref<32x128xf32, #tpu.memory_space<vmem>>
        %dma_start3A_31 = arith.constant 499968 : i32
        %dma_start3A_32 = arith.constant 0 : i32
        %dma_start3A_33 = tpu.memref_slice %arg4[%dma_start3A_31, %dma_start3A_32] : memref<500000x128xf32, #tpu.memory_space<hbm>> -> memref<32x128xf32, #tpu.memory_space<hbm>>
        %dma_start3A_34 = arith.constant 499968 : i32
        %dma_start3A_35 = arith.constant 0 : i32
        %dma_start3A_36 = tpu.memref_slice %arg4[%dma_start3A_34, %dma_start3A_35] : memref<500000x128xf32, #tpu.memory_space<hbm>> -> memref<32x128xf32, #tpu.memory_space<hbm>>
        %dma_start3A_37 = arith.constant 0 : i32
        %dma_start3A_38 = arith.constant 0 : i32
        %dma_start3A_39 = tpu.memref_slice %arg7[%dma_start3A_37, %dma_start3A_38] : memref<192x128xf32, #tpu.memory_space<vmem>> -> memref<32x128xf32, #tpu.memory_space<vmem>>
        tpu.enqueue_dma source(%dma_start3A_39 : memref<32x128xf32, #tpu.memory_space<vmem>>) target(%dma_start3A_36 : memref<32x128xf32, #tpu.memory_space<hbm>>) target_semaphore(%run_scoped3A : memref<!tpu.dma_semaphore, #tpu.memory_space<semaphore_mem>>)
        %dma_wait3A_40 = arith.constant 0 : i32
        %dma_wait3A_41 = arith.constant 0 : i32
        %dma_wait3A_42 = tpu.memref_slice %arg7[%dma_wait3A_40, %dma_wait3A_41] : memref<192x128xf32, #tpu.memory_space<vmem>> -> memref<32x128xf32, #tpu.memory_space<vmem>>
        %dma_wait3A_43 = arith.constant 499968 : i32
        %dma_wait3A_44 = arith.constant 0 : i32
        %dma_wait3A_45 = tpu.memref_slice %arg4[%dma_wait3A_43, %dma_wait3A_44] : memref<500000x128xf32, #tpu.memory_space<hbm>> -> memref<32x128xf32, #tpu.memory_space<hbm>>
        %dma_wait3A_46 = arith.constant 499968 : i32
        %dma_wait3A_47 = arith.constant 0 : i32
        %dma_wait3A_48 = tpu.memref_slice %arg4[%dma_wait3A_46, %dma_wait3A_47] : memref<500000x128xf32, #tpu.memory_space<hbm>> -> memref<32x128xf32, #tpu.memory_space<hbm>>
        %dma_wait3A_49 = arith.constant 0 : i32
        %dma_wait3A_50 = arith.constant 0 : i32
        %dma_wait3A_51 = tpu.memref_slice %arg7[%dma_wait3A_49, %dma_wait3A_50] : memref<192x128xf32, #tpu.memory_space<vmem>> -> memref<32x128xf32, #tpu.memory_space<vmem>>
        tpu.wait_dma2 semaphore(%run_scoped3A : memref<!tpu.dma_semaphore, #tpu.memory_space<semaphore_mem>>) src(%dma_wait3A_51 : memref<32x128xf32, #tpu.memory_space<vmem>>) dst(%dma_wait3A_48 : memref<32x128xf32, #tpu.memory_space<hbm>>)
        tpu.yield
      }) : () -> ()
    } else {
    }
    return
  }
}

</mosaic_0001>

<sc_bundles>
// kernel: _tr_call.3.cloned.1.call-start
scs
__scs_entry_jumppad:
0x0: {  	(pc) =	sbr.rel $0x88, $3  }
0x1: {  	(tag) =	ssettag $0x0;
	lr =	simm.s32 $0x1  }
0x2: {  	[smem:$0x3F9F] =	sst lr;
	_ =	strace $0xD0000000  }
0x3: {  	_ = 	snop  }
0x4: {  	_ = 	snop  }
0x5: {  	_ = 	snop  }
0x6: {  	_ = 	snop  }
0x7: {  	_ = 	snop  }
__scs_overlays_trampoline_lowered:
0x8: {  	[smem:$0x3FAE] =	sst s0  }
0x9: {  	[smem:$0x3FAF] =	sst s1  }
0xa: {  	[smem:$0x3FB0] =	sst s2  }
0xb: {  	[smem:$0x3FB1] =	sst s3  }
0xc: {  	[smem:$0x3FB2] =	sst s4  }
0xd: {  	[smem:$0x3FB3] =	sst s5  }
0xe: {  	[smem:$0x3FB4] =	sst s6  }
0xf: {  	[smem:$0x3FB5] =	sst s7  }
0x10: {  	[smem:$0x3FB6] =	sst s8  }
0x11: {  	[smem:$0x3FB7] =	sst s9;
	s0 =	simm.s32 @!p0 $0x0  }
0x12: {  	s1 =	sld [smem:$0x3F9D];
	s0 =	simm.s32 @p0 $0x1  }
0x13: {  	[smem:$0x3FB8] =	sst s0;
	s0 =	simm.s32 @!p1 $0x0  }
0x14: {  	s2 =	sld [smem:$0x3F9C];
	s0 =	simm.s32 @p1 $0x1  }
0x15: {  	[smem:$0x3FB9] =	sst s0;
	s0 =	simm.s32 @!p2 $0x0  }
0x16: {  	s3 =	sld [smem:$0x3FDB];
	s0 =	simm.s32 @p2 $0x1  }
0x17: {  	s4 =	simm.s32 $0x1BF5;
	[smem:$0x3FBB] =	sst s0  }
0x18: {  	s0 =	sld [smem:$0x3F9E];
	_ =	swait.ge [sflag:s4], $0x0  }
0x19: {  	s7 =	sld [smem:$0x3F9F]  }
0x1a: {  	s8 =	sadd.s32 $0xFFFFE003, lr  }
0x1b: {  	s9 =	sadd.s32 $0xFFFFFEF7, lr;
	s5 =	simm.s32 $0xFFFFFFFF;
	p2 =	slt.u32 s8, $0xFFFFF086  }
0x1c: {  	p1 =	slt.u32 s9, $0xF7A;
	s5 =	simm.s32 @!p2 $0x0  }
0x1d: {  	s5 =	simm.s32 @p1 $0x1;
	p0 =	seq.s32 s7, s2  }
0x1e: {  	s7 =	smul.u32 @!p0 $0xF7A, s2;
	p2 =	seq.s32 @!p0 s5, $0x0  }
0x1f: {  	s9 =	smul.u32 $0xF7A, s1;
	s8 =	simm.s32 @!p0 $0x1BF5;
	p2 =	por !p2, p0  }
0x20: {  	[sflag:s8] =	ssyncset.s32 @!p0 $0xFFFFF086;
	s6 =	sadd.s32 @!p0 s3, s7;
	s7 =	simm.s32 @!p0 $0x108  }
0x21: {  	s3 =	sadd.s32 s3, s9;
	s6 =	sadd.s32 @!p0 $0x88, s6;
	s7 =	simm.s32 @p2 $0x1082  }
0x22: {  	[simem:s7], [sflag:s8] =	dma.local @!p0 [hbm:s6], $0xF7A  }
0x23: {  	s9 =	sor.u32 $0xD0000000, s2;
	s6 =	simm.s32 $0x108;
	_ =	swait.ge @!p0 [sflag:s8], $0x0  }
0x24: {  	s3 =	sadd.s32 $0x88, s3;
	s6 =	simm.s32 @!p1 $0x1082;
	[sflag:s4] =	ssyncset.s32 $0xFFFFF086  }
0x25: {  	[simem:s6], [sflag:s4] =	dma.local [hbm:s3], $0xF7A  }
0x26: {  	[smem:$0x3F9F] =	sst s1;
	(tag) =	ssettag s2;
	_ =	strace s9  }
0x27: {  	s1 =	sld [smem:$0x3FAF]  }
0x28: {  	s2 =	sld [smem:$0x3FB0]  }
0x29: {  	s4 =	sld [smem:$0x3FB2]  }
0x2a: {  	p0 =	seq.s32 s5, $0x0;
	s5 =	sld [smem:$0x3FB3]  }
0x2b: {  	s6 =	sld [smem:$0x3FB4]  }
0x2c: {  	s7 =	sld [smem:$0x3FB5]  }
0x2d: {  	s3 =	simm.s32 $0x108;
	s8 =	sld [smem:$0x3FB6]  }
0x2e: {  	s3 =	simm.s32 @!p0 $0x1082;
	s9 =	sld [smem:$0x3FB7]  }
0x2f: {  	lr =	sadd.s32 s0, s3;
	s0 =	sld [smem:$0x3FAE]  }
0x30: {  	s3 =	sld [smem:$0x3FB1]  }
0x31: {  	[smem:$0x3FBA] =	sst s10  }
0x32: {  	s10 =	sld [smem:$0x3FB8];
	_ =	sdelay $0x3  }
0x33: {  	p0 =	seq.s32 s10, $0x1;
	s10 =	sld [smem:$0x3FBA];
	_ =	sdelay $0x3  }
0x34: {  	[smem:$0x3FBA] =	sst s10  }
0x35: {  	s10 =	sld [smem:$0x3FB9];
	_ =	sdelay $0x3  }
0x36: {  	p1 =	seq.s32 s10, $0x1;
	s10 =	sld [smem:$0x3FBA];
	_ =	sdelay $0x3  }
0x37: {  	[smem:$0x3FBA] =	sst s10  }
0x38: {  	s10 =	sld [smem:$0x3FBB]  }
0x39: {  	_ = 	snop;
	(pc) =	sbr.ind lr, $3  }
0x3a: {  	_ = 	snop  }
0x3b: {  	_ = 	snop  }
0x3c: {  	p2 =	seq.s32 s10, $0x1;
	s10 =	sld [smem:$0x3FBA]  }
0x3d: {  	_ =	shalt  }
0x3e: {  	_ =	shalt  }
0x3f: {  	_ =	shalt  }
0x40: {  	_ =	shalt  }
0x41: {  	_ =	shalt  }
0x42: {  	_ =	shalt  }
0x43: {  	_ =	shalt  }
0x44: {  	_ =	shalt  }
0x45: {  	_ =	shalt  }
0x46: {  	_ =	shalt  }
0x47: {  	_ =	shalt  }
0x48: {  	_ =	shalt  }
0x49: {  	_ =	shalt  }
0x4a: {  	_ =	shalt  }
0x4b: {  	_ =	shalt  }
0x4c: {  	_ =	shalt  }
0x4d: {  	_ =	shalt  }
0x4e: {  	_ =	shalt  }
0x4f: {  	_ =	shalt  }
0x50: {  	_ =	shalt  }
0x51: {  	_ =	shalt  }
0x52: {  	_ =	shalt  }
0x53: {  	_ =	shalt  }
0x54: {  	_ =	shalt  }
0x55: {  	_ =	shalt  }
0x56: {  	_ =	shalt  }
0x57: {  	_ =	shalt  }
0x58: {  	_ =	shalt  }
0x59: {  	_ =	shalt  }
0x5a: {  	_ =	shalt  }
0x5b: {  	_ =	shalt  }
0x5c: {  	_ =	shalt  }
0x5d: {  	_ =	shalt  }
0x5e: {  	_ =	shalt  }
0x5f: {  	_ =	shalt  }
0x60: {  	_ =	shalt  }
0x61: {  	_ =	shalt  }
0x62: {  	_ =	shalt  }
0x63: {  	_ =	shalt  }
0x64: {  	_ =	shalt  }
0x65: {  	_ =	shalt  }
0x66: {  	_ =	shalt  }
0x67: {  	_ =	shalt  }
0x68: {  	_ =	shalt  }
0x69: {  	_ =	shalt  }
0x6a: {  	_ =	shalt  }
0x6b: {  	_ =	shalt  }
0x6c: {  	_ =	shalt  }
0x6d: {  	_ =	shalt  }
0x6e: {  	_ =	shalt  }
0x6f: {  	_ =	shalt  }
0x70: {  	_ =	shalt  }
0x71: {  	_ =	shalt  }
0x72: {  	_ =	shalt  }
0x73: {  	_ =	shalt  }
0x74: {  	_ =	shalt  }
0x75: {  	_ =	shalt  }
0x76: {  	_ =	shalt  }
0x77: {  	_ =	shalt  }
0x78: {  	_ =	shalt  }
0x79: {  	_ =	shalt  }
0x7a: {  	_ =	shalt  }
0x7b: {  	_ =	shalt  }
0x7c: {  	_ =	shalt  }
0x7d: {  	_ =	shalt  }
0x7e: {  	_ =	shalt  }
0x7f: {  	_ =	shalt  }
0x80: {  	_ =	shalt  }
0x81: {  	_ =	shalt  }
0x82: {  	_ =	shalt  }
0x83: {  	_ =	shalt  }
0x84: {  	_ =	shalt  }
0x85: {  	_ =	shalt  }
0x86: {  	_ =	shalt  }
0x87: {  	_ =	shalt  }
.Lfunc_end0:
.L_simem_size_0:
called_computation_lowered:
.L_overlay_start_0:
0x88: {  	s2 =	sld [smem:$0x3FD9]  }
0x89: {  	s3 =	sld [smem:$0x3FFE];
	_ =	sdelay $0x1  }
0x8a: {  	s1 =	srdreg.scid  }
0x8b: {  	s0 =	sand.u32 $0x1, s1  }
0x8c: {  	s18 =	sshll.u32 s0, $0xA;
	s2 =	sadd.s32 s3, s2  }
0x8d: {  	s2 =	sadd.s32 s2, s18  }
0x8e: {  	[smem:$0x3FC6] =	sst s2  }
0x8f: {  	_ = 	snop  }
0x90: {  	s2 =	sld [smem:$0x3FC9]  }
0x91: {  	s19 =	sld [smem:$0x3FC8]  }
0x92: {  	s4 =	sld [smem:$0x3FD0];
	(tm) =	ssettm $0x1  }
0x93: {  	s5 =	sld [smem:$0x3FFB];
	_ =	sdelay $0x3  }
0x94: {  	_ =	strace s5  }
0x95: {  	s5 =	sld [smem:$0x3FFC];
	_ =	sdelay $0x3  }
0x96: {  	_ =	strace s5  }
0x97: {  	s5 =	sld [smem:$0x3FFD];
	_ =	sdelay $0x3  }
0x98: {  	_ =	strace s5  }
0x99: {  	_ =	strace $0x8FFFFFFF  }
0x9a: {  	s20 =	sld [smem:$0x3FDB];
	_ =	sdelay $0x1  }
0x9b: {  	s6 =	simm.s32 $_scs_section_size  }
0x9c: {  	s7 =	simm.s32 $_size__tile_overlayer_lowered;
	s8 =	simm.s32 $_tile_overlayer_lowered  }
0x9d: {  	s23 =	simm.s32 $0x1BFF;
	s22 =	sshll.u32 s8, $0x1;
	s5 =	sadd.s32 s6, s20  }
0x9e: {  	s9 =	simm.s32 $0x0;
	s21 =	sshll.u32 s7, $0x1;
	s7 =	sadd.s32 s22, s5  }
0x9f: {  	[timem:s9], [sflag:s23] =	dma.local [hbm:s7], s21  }
0xa0: {  	_ =	swait.ge [sflag:s23], s21  }
0xa1: {  	s6 =	ssub.s32 $0x0, s21;
	[sflag:s23] =	ssyncset.done $0x0  }
0xa2: {  	[sflag:s23] =	ssyncadd.s32 s6;
	_ =	sdelay $0x1  }
0xa3: {  	s24 =	simm.s32 $0x1B8B  }
0xa4: {  	_ =	swait.ge [sflag:s24], $0x1  }
0xa5: {  	[sflag:s24] =	ssyncset.done $0x0  }
0xa6: {  	s25 =	simm.s32 $0x1B8E;
	[sflag:s24] =	ssyncadd.s32 $0xFFFFFFFF  }
0xa7: {  	s26 =	simm.s32 $execute0_lowered;
	[smem:$0x3FD2] =	sst s25  }
0xa8: {  	s6 =	sshll.u32 s26, $0x1;
	_ =	strace $0x80000046;
	[dreg:$0x1] =	wrdreg $0xFFFFFFFF  }
0xa9: {  	s28 =	simm.s32 $_size_execute0_lowered;
	s5 =	sadd.s32 s5, s6;
	[dreg:$0x0] =	wrdreg $0x0  }
0xaa: {  	s6 =	sshll.u32 s28, $0x1;
	[dreg:$0x2] =	wrdreg s5  }
0xab: {  	[dreg:$0x3] =	wrdreg s6  }
0xac: {  	[dreg:$0x4] =	wrdreg $0xC0  }
0xad: {  	_ =	task [dreg:s9], $0x5FFFF  }
0xae: {  	[dreg:$0x1] =	wrdreg $0xFFFFFFFF  }
0xaf: {  	[dreg:$0x0] =	wrdreg $0x60  }
0xb0: {  	[dreg:$0x2] =	wrdreg s2  }
0xb1: {  	[dreg:$0x3] =	wrdreg s19  }
0xb2: {  	[dreg:$0x4] =	wrdreg s4  }
0xb3: {  	[dreg:$0x5] =	wrdreg $0x9  }
0xb4: {  	_ =	task.clear_ibuf [dreg:s9], $0x6FFFF;
	_ =	strace $0x90000046  }
0xb5: {  	s29 =	simm.s32 $0x9;
	_ =	strace $0x80000048  }
0xb6: {  	_ =	swait.ge [sflag:s29], $0x1  }
0xb7: {  	[sflag:s29] =	ssyncadd.s32 $0xFFFFFFFF  }
0xb8: {  	_ =	strace $0x90000048  }
0xb9: {  	_ =	sfence  }
0xba: {  	s30 =	sld [smem:$0x0];
	_ =	sdelay $0x2  }
0xbb: {  	s31 =	sshll.u32 s1, $0xD;
	s1 =	sshrl.u32 s1, $0x2  }
0xbc: {  	s3 =	sand.u32 $0x4000, s31;
	s1 =	sadd.s32 s1, s30  }
0xbd: {  	s0 =	sor.u32 s3, s0;
	s1 =	sshll.u32 s1, $0x11  }
0xbe: {  	s0 =	sor.u32 s1, s0  }
0xbf: {  	s0 =	sadd.s32 $0x8F2B, s0  }
0xc0: {  	[sflag:s0] =	ssyncadd.remote.s32 $0x1  }
0xc1: {  	_ =	sfence.sel $0xFFFF  }
0xc2: {  	[dreg:$0x0] =	wrdreg $0xFFFFFFFF;
	(pc) =	sbr.abs _section_cstart, $3  }
0xc3: {  	[dreg:$0x1] =	wrdreg $0xFFFFFFFF  }
0xc4: {  	_ =	task.clear_ibuf [dreg:s9], $0x2FFFF;
	_ =	strace $0x9FFFFFFF  }
0xc5: {  	(tm) =	ssettm $0x7FFFFFFF  }
tec
execute0_lowered:
.L_overlay_start_1:
0x0: {  	(tag) =	ssettag $0x1  }
0x1: {  	v0 =	vimm.s32 $0xF80  }
0x2: {  	vm14 =	vcmask $0x300;
	vm13 =	vcmask $0x704;
	vm12 =	vcmask $0xB08  }
0x3: {  	vm11 =	vcmask $0xF0C;
	vm10 =	vcmask $0x1310;
	vm9 =	vcmask $0x1714  }
0x4: {  	vm8 =	vcmask $0x1B18;
	vm7 =	vcmask $0x1F1C;
	vm6 =	vcmask $0x2320  }
0x5: {  	vm5 =	vcmask $0x2724;
	vm4 =	vcmask $0x2B28;
	vm3 =	vcmask $0x2F2C  }
0x6: {  	vm2 =	vcmask $0x3330;
	vm1 =	vcmask $0x3734;
	vm0 =	vcmask $0x3B38  }
0x7: {  	v1 =	vimm.s32 $0x2780;
	v2 =	vimm.s32 $0x3F80;
	v3 =	vimm.s32 $0x5780  }
0x8: {  	v0 =	vsel vm14, $0x0, v0;
	v1 =	vsel vm14, $0x1800, v1;
	v2 =	vsel vm14, $0x3000, v2  }
0x9: {  	v3 =	vsel vm14, $0x4800, v3;
	v0 =	vsel vm13, $0x80, v0;
	v1 =	vsel vm13, $0x1880, v1  }
0xa: {  	v2 =	vsel vm13, $0x3080, v2;
	v3 =	vsel vm13, $0x4880, v3;
	v0 =	vsel vm12, $0x100, v0  }
0xb: {  	s0 =	rddreg [dreg:$0x0];
	v1 =	vsel vm12, $0x1900, v1;
	v2 =	vsel vm12, $0x3100, v2;
	v3 =	vsel vm12, $0x4900, v3  }
0xc: {  	s7 =	rddreg [dreg:$0x1];
	v0 =	vsel vm11, $0x180, v0;
	v1 =	vsel vm11, $0x1980, v1;
	v2 =	vsel vm11, $0x3180, v2  }
0xd: {  	s4 =	rddreg [dreg:$0x2];
	s5 =	simm.s32 $0x0;
	v3 =	vsel vm11, $0x4980, v3;
	v0 =	vsel vm10, $0x200, v0;
	v1 =	vsel vm10, $0x1A00, v1  }
0xe: {  	s1 =	srdreg.scid;
	[smem:$0x7FF] =	sst s5;
	s21 =	sadd.s32 $0x7A1000, s4;
	v2 =	vsel vm10, $0x3200, v2;
	v3 =	vsel vm10, $0x4A00, v3;
	v0 =	vsel vm9, $0x280, v0  }
0xf: {  	s22 =	sadd.s32 $0x80, s7;
	_ =	strace $0x80000047;
	[dreg:$0x4] =	wrdreg s21;
	v1 =	vsel vm9, $0x1A80, v1;
	v2 =	vsel vm9, $0x3280, v2;
	v3 =	vsel vm9, $0x4A80, v3  }
0x10: {  	s2 =	stileid.u32;
	s23 =	sadd.s32 $0x100, s7;
	[dreg:$0x5] =	wrdreg s22;
	v0 =	vsel vm8, $0x300, v0;
	v1 =	vsel vm8, $0x1B00, v1;
	v2 =	vsel vm8, $0x3300, v2  }
0x11: {  	s28 =	simm.s32 $0x7A1400;
	s24 =	sadd.s32 $0x180, s7;
	[dreg:$0x6] =	wrdreg s23;
	v3 =	vsel vm8, $0x4B00, v3;
	v0 =	vsel vm7, $0x380, v0;
	v1 =	vsel vm7, $0x1B80, v1  }
0x12: {  	s20 =	simm.s32 $0x1;
	s25 =	sadd.s32 $0x200, s7;
	[dreg:$0x7] =	wrdreg s24;
	v2 =	vsel vm7, $0x3380, v2;
	v3 =	vsel vm7, $0x4B80, v3;
	v0 =	vsel vm6, $0xC00, v0  }
0x13: {  	s29 =	simm.s32 $0x0;
	s26 =	sadd.s32 $0x280, s7;
	[dreg:$0x8] =	wrdreg s25;
	v1 =	vsel vm6, $0x2400, v1;
	v2 =	vsel vm6, $0x3C00, v2;
	v3 =	vsel vm6, $0x5400, v3  }
0x14: {  	s1 =	sand.u32 $0x1, s1;
	s30 =	sadd.s32 $0x300, s7;
	[dreg:$0x9] =	wrdreg s26;
	v0 =	vsel vm5, $0xC80, v0;
	v1 =	vsel vm5, $0x2480, v1;
	v2 =	vsel vm5, $0x3C80, v2  }
0x15: {  	s2 =	sshll.u32 s2, $0x1;
	s31 =	sadd.s32 $0x380, s7;
	[dreg:$0xa] =	wrdreg s30;
	v3 =	vsel vm5, $0x5480, v3;
	v0 =	vsel vm4, $0xD00, v0;
	v1 =	vsel vm4, $0x2500, v1  }
0x16: {  	s6 =	sor.u32 s1, s2;
	s1 =	ssub.s32 $0x2, s1;
	[dreg:$0xb] =	wrdreg s31;
	v2 =	vsel vm4, $0x3D00, v2;
	v3 =	vsel vm4, $0x5500, v3;
	v0 =	vsel vm3, $0xD80, v0  }
.Ltmp0:
0x17: {  	s21 =	simm.s32 $0xC000;
	s22 =	simm.s32 $0x2;
	v1 =	vsel vm3, $0x2580, v1;
	v2 =	vsel vm3, $0x3D80, v2;
	v3 =	vsel vm3, $0x5580, v3;
	(pc) =	sbr.rel .LBB2_1-.Ltmp0, $4  }
0x18: {  	s23 =	simm.s32 $0x6000;
	s24 =	simm.s32 $0x12000;
	s2 =	smul.u32 $0x180, s6;
	v0 =	vsel vm2, $0xE00, v0;
	v1 =	vsel vm2, $0x2600, v1;
	v2 =	vsel vm2, $0x3E00, v2  }
0x19: {  	s25 =	simm.s32 $0x3;
	s26 =	simm.s32 $0x4;
	s3 =	sshrl.u32 s1, $0x1;
	v3 =	vsel vm2, $0x5600, v3;
	v0 =	vsel vm1, $0xE80, v0;
	v1 =	vsel vm1, $0x2680, v1  }
0x1a: {  	s8 =	sor.u32 $0x40, s6;
	s1 =	ssub.s32 s1, s3;
	s2 =	sadd.s32 s0, s2;
	v2 =	vsel vm1, $0x3E80, v2;
	v3 =	vsel vm1, $0x5680, v3;
	v0 =	vsel vm0, $0xF00, v0  }
0x1b: {  	p0 =	sne.s32 s6, $0x0;
	s10 =	smax.u32 s1, $0x1;
	s7 =	smov.u32 s2;
	v1 =	vsel vm0, $0x2700, v1;
	v2 =	vsel vm0, $0x3F00, v2;
	v3 =	vsel vm0, $0x5700, v3  }
.LBB2_9:
0x1c: {  	_ =	swait.ge [sflag:s25], $0x6000  }
.Ltmp1:
0x1d: {  	[sflag:s25] =	ssyncset.done $0x0;
	(pc) =	sbr.rel @!p0 .LBB2_10-.Ltmp1, $4  }
0x1e: {  	[sflag:s25] =	ssyncadd.s32 $0xFFFFA000  }
0x1f: {  	_ =	swait.ge [sflag:s26], $0x6000  }
0x20: {  	[sflag:s26] =	ssyncset.done $0x0  }
0x21: {  	[sflag:s26] =	ssyncadd.s32 $0xFFFFA000  }
.LBB2_13:
0x22: {  	s29 =	sadd.s32 $0x1, s29  }
0x23: {  	p1 =	sne.s32 s29, s10  }
.Ltmp2:
0x24: {  	_ = 	snop;
	(pc) =	sbr.rel @!p1 .LBB2_14-.Ltmp2, $1  }
0x25: {  	_ =	sdelay $0x3  }
.LBB2_1:
.Ltmp3:
0x26: {  	(pc) =	sbr.rel .LBB2_2-.Ltmp3, $3  }
0x27: {  	_ =	sdelay $0x1  }
0x28: {  	s1 =	simm.s32 $0xC00;
	s30 =	simm.s32 $0x0  }
0x29: {  	[tilespmem:s5], [sflag:$0x1] =	stream.strided.gather [hbm4b:s7+s1], $0x6000, s28, s1, $0x38;
	[tilespmem:$0x18000] =	vst v63  }
.LBB2_8:
0x2a: {  	s30 =	sadd.s32 $0x1, s30  }
0x2b: {  	p1 =	sne.s32 s30, $0x29  }
.Ltmp4:
0x2c: {  	_ = 	snop;
	(pc) =	sbr.rel @!p1 .LBB2_9-.Ltmp4, $1  }
0x2d: {  	_ =	sdelay $0x3  }
.LBB2_2:
0x2e: {  	s3 =	sshll.u32 s30, $0x6;
	_ =	swait.ge [sflag:s20], $0x6000;
	s9 =	simm.s32 $0xE  }
0x2f: {  	s15 =	simm.s32 $0x4;
	s16 =	simm.s32 $0x6;
	s2 =	sor.u32 s6, s3  }
0x30: {  	s17 =	simm.s32 $0x8;
	s18 =	simm.s32 $0x0;
	v4 =	vmov s9;
	v6 =	vmov s15;
	s31 =	sor.u32 $0x20, s2  }
0x31: {  	s19 =	simm.s32 $0xA;
	s13 =	simm.s32 $0xC;
	v8 =	vmov s16;
	v9 =	vmov s17;
	v10 =	vmov s18;
	p2 =	sgt.u32 s31, $0xA2B  }
0x32: {  	[sflag:s20] =	ssyncset.done $0x0;
	v11 =	vmov s19;
	v13 =	vmov s13;
	v5 =	vshll.u32 v4, $0x3;
	s1 =	smul.u32 @!p2 $0x180, s31  }
0x33: {  	p1 =	seq.s32 s30, $0x0;
	[sflag:s20] =	ssyncadd.s32 $0xFFFFA000;
	v4 =	vand.u32 $0x7E, v4;
	v12 =	vshll.u32 v10, $0x3;
	v5 =	vand.u32 $0xC00, v5;
	s9 =	simm.s32 @!p2 $0xC00  }
0x34: {  	v15 =	vshll.u32 v6, $0x3;
	v16 =	vshll.u32 v8, $0x3;
	s11 =	simm.s32 @!p2 $0x7A1400;
	s12 =	simm.s32 @!p2 $0x6000;
	v4 =	vor.u32 v4, v5;
	s1 =	sadd.s32 @!p2 s0, s1  }
0x35: {  	v17 =	vshll.u32 v9, $0x3;
	v18 =	vshll.u32 v11, $0x3;
	v7 =	vadd.s32 v0, v4;
	[tilespmem:s12], [sflag:$0x2] =	stream.strided.gather @!p2 [hbm4b:s1+s9], $0x6000, s11, s9, $0x38;
	[tilespmem:$0x18000] =	vst v63  }
0x36: {  	v19 =	vshll.u32 v13, $0x3;
	v10 =	vand.u32 $0x70, v10;
	v12 =	vand.u32 $0xC00, v12;
	s12 =	simm.s32 @!p1 $0x3  }
0x37: {  	v6 =	vand.u32 $0x74, v6;
	v8 =	vand.u32 $0x76, v8;
	v10 =	vor.u32 v10, v12;
	_ =	swait.ge @!p1 [sflag:s12], $0x6000  }
0x38: {  	s14 =	simm.s32 $0x2;
	v9 =	vand.u32 $0x78, v9;
	v15 =	vand.u32 $0xC00, v15;
	v12 =	vadd.s32 v0, v10;
	[sflag:s12] =	ssyncset.done @!p1 $0x0  }
0x39: {  	v16 =	vand.u32 $0xC00, v16;
	v5 =	vmov s14;
	v6 =	vor.u32 v6, v15;
	[sflag:s12] =	ssyncadd.s32 @!p1 $0xFFFFA000  }
0x3a: {  	v8 =	vor.u32 v8, v16;
	v14 =	vshll.u32 v5, $0x3;
	v16 =	vadd.s32 v0, v6;
	v7 =	vld.idx.msk [tilespmem:v7+s5+$0x0], $0xffff  }
0x3b: {  	v20 =	vadd.s32 v1, v4;
	v5 =	vand.u32 $0x72, v5;
	v14 =	vand.u32 $0xC00, v14  }
0x3c: {  	v15 =	vand.u32 $0xC00, v18;
	v18 =	vadd.s32 v0, v8;
	v5 =	vor.u32 v5, v14  }
0x3d: {  	v11 =	vand.u32 $0x7A, v11;
	v17 =	vand.u32 $0xC00, v17;
	v14 =	vadd.s32 v0, v5;
	v12 =	vld.idx.msk [tilespmem:v12+s5+$0x0], $0xffff  }
0x3e: {  	v13 =	vand.u32 $0x7C, v13;
	v9 =	vor.u32 v9, v17;
	v21 =	vadd.s32 v1, v10;
	s1 =	simm.s32 $0xC200  }
0x3f: {  	v11 =	vor.u32 v11, v15;
	v15 =	vadd.s32 v0, v9;
	v16 =	vld.idx.msk [tilespmem:v16+s5+$0x0], $0xffff;
	[tilespmem:s1+$0x180] =	vst v7;
	v7 =	vand.u32 $0xC00, v19  }
0x40: {  	v19 =	vld.idx.msk [tilespmem:v20+s5+$0x0], $0xffff;
	v7 =	vor.u32 v13, v7;
	v13 =	vadd.s32 v0, v11  }
0x41: {  	v17 =	vadd.s32 v2, v4;
	v18 =	vld.idx.msk [tilespmem:v18+s5+$0x0], $0xffff  }
0x42: {  	v22 =	vadd.s32 v1, v6;
	v14 =	vld.idx.msk [tilespmem:v14+s5+$0x0], $0xffff;
	[tilespmem:s1+$0xFFFFFE00] =	vst v12  }
0x43: {  	v21 =	vld.idx.msk [tilespmem:v21+s5+$0x0], $0xffff;
	v20 =	vadd.s32 v0, v7  }
0x44: {  	v24 =	vadd.s32 v2, v10;
	v15 =	vld.idx.msk [tilespmem:v15+s5+$0x0], $0xffff  }
0x45: {  	[tilespmem:s1+$0x190] =	vst v19;
	v19 =	vadd.s32 v1, v5;
	v12 =	vld.idx.msk [tilespmem:v13+s5+$0x0], $0xffff  }
0x46: {  	[tilespmem:s1+$0xFFFFFF00] =	vst v16;
	v13 =	vadd.s32 v1, v8;
	v17 =	vld.idx.msk [tilespmem:v17+s5+$0x0], $0xffff  }
0x47: {  	v4 =	vadd.s32 v3, v4;
	v22 =	vld.idx.msk [tilespmem:v22+s5+$0x0], $0xffff;
	[tilespmem:s1+$0xFFFFFE80] =	vst v14  }
0x48: {  	[tilespmem:s1+$0xFFFFFE10] =	vst v21;
	v14 =	vld.idx.msk [tilespmem:v20+s5+$0x0], $0xffff;
	v20 =	vadd.s32 v1, v9  }
0x49: {  	s12 =	simm.s32 $0xF;
	v16 =	vadd.s32 v1, v11;
	[tilespmem:s1+$0xFFFFFF80] =	vst v18;
	v24 =	vld.idx.msk [tilespmem:v24+s5+$0x0], $0xffff  }
0x4a: {  	v10 =	vadd.s32 v3, v10;
	v18 =	vmov s12;
	[tilespmem:s1+$0x0] =	vst v15;
	v19 =	vld.idx.msk [tilespmem:v19+s5+$0x0], $0xffff  }
0x4b: {  	v23 =	vadd.s32 v1, v7;
	v13 =	vld.idx.msk [tilespmem:v13+s5+$0x0], $0xffff;
	[tilespmem:s1+$0x1A0] =	vst v17;
	v17 =	vshll.u32 v18, $0x3  }
0x4c: {  	v15 =	vand.u32 $0x7F, v18;
	[tilespmem:s1+$0x80] =	vst v12;
	v18 =	vadd.s32 v2, v5;
	v4 =	vld.idx.msk [tilespmem:v4+s5+$0x0], $0xffff;
	v17 =	vand.u32 $0x7FFFFC00, v17  }
0x4d: {  	[tilespmem:s1+$0x100] =	vst v14;
	v12 =	vor.u32 v15, v17;
	v15 =	vld.idx.msk [tilespmem:v20+s5+$0x0], $0xffff;
	v20 =	vadd.s32 v2, v8  }
0x4e: {  	v16 =	vld.idx.msk [tilespmem:v16+s5+$0x0], $0xffff;
	[tilespmem:s1+$0xFFFFFE20] =	vst v24;
	v14 =	vadd.s32 v0, v12  }
0x4f: {  	s16 =	simm.s32 $0x7;
	s17 =	simm.s32 $0x9;
	[tilespmem:s1+$0xFFFFFF10] =	vst v22;
	v10 =	vld.idx.msk [tilespmem:v10+s5+$0x0], $0xffff;
	v17 =	vadd.s32 v2, v6  }
0x50: {  	s18 =	simm.s32 $0xB;
	s19 =	simm.s32 $0xD;
	v25 =	vmov s16;
	v26 =	vmov s17;
	v21 =	vadd.s32 v2, v9;
	[tilespmem:s1+$0xFFFFFE90] =	vst v19;
	v19 =	vld.idx.msk [tilespmem:v23+s5+$0x0], $0xffff  }
0x51: {  	v27 =	vmov s18;
	v28 =	vmov s19;
	v23 =	vadd.s32 v2, v11;
	[tilespmem:s1+$0xFFFFFF90] =	vst v13;
	v18 =	vld.idx.msk [tilespmem:v18+s5+$0x0], $0xffff  }
0x52: {  	v30 =	vshll.u32 v25, $0x3;
	v22 =	vadd.s32 v2, v7;
	v5 =	vadd.s32 v3, v5;
	[tilespmem:s1+$0x1B0] =	vst v4;
	v20 =	vld.idx.msk [tilespmem:v20+s5+$0x0], $0xffff  }
0x53: {  	v31 =	vshll.u32 v27, $0x3;
	[tilespmem:s1+$0x90] =	vst v16;
	v4 =	vadd.s32 v3, v6;
	v6 =	vadd.s32 v3, v8;
	v8 =	vld.idx.msk [tilespmem:v14+s5+$0x0], $0xffff  }
0x54: {  	s13 =	simm.s32 $0x1;
	s14 =	simm.s32 $0x3;
	v54 =	vand.u32 $0x7FFFFC00, v30;
	v7 =	vadd.s32 v3, v7;
	v9 =	vadd.s32 v3, v9;
	[tilespmem:s1+$0x10] =	vst v15;
	v14 =	vld.idx.msk [tilespmem:v17+s5+$0x0], $0xffff  }
0x55: {  	s15 =	simm.s32 $0x5;
	v13 =	vmov s13;
	v16 =	vadd.s32 v1, v12;
	[tilespmem:s1+$0xFFFFFE30] =	vst v10;
	v15 =	vmov s14;
	v21 =	vld.idx.msk [tilespmem:v21+s5+$0x0], $0xffff  }
0x56: {  	v11 =	vadd.s32 v3, v11;
	v17 =	vmov s15;
	v52 =	vshll.u32 v15, $0x3;
	[tilespmem:s1+$0x110] =	vst v19;
	v23 =	vld.idx.msk [tilespmem:v23+s5+$0x0], $0xffff  }
0x57: {  	v15 =	vand.u32 $0x73, v15;
	v19 =	vshll.u32 v13, $0x3;
	v29 =	vshll.u32 v17, $0x3;
	[tilespmem:s1+$0xFFFFFEA0] =	vst v18;
	v18 =	vld.idx.msk [tilespmem:v22+s5+$0x0], $0xffff  }
0x58: {  	v13 =	vand.u32 $0x71, v13;
	v17 =	vand.u32 $0x75, v17;
	v19 =	vand.u32 $0xC00, v19;
	v5 =	vld.idx.msk [tilespmem:v5+s5+$0x0], $0xffff;
	[tilespmem:s1+$0xFFFFFFA0] =	vst v20  }
0x59: {  	v22 =	vshll.u32 v26, $0x3;
	v19 =	vor.u32 v13, v19;
	[tilespmem:s1+$0x1C0] =	vst v8;
	v8 =	vand.u32 $0x7FFFFC00, v52;
	v6 =	vld.idx.msk [tilespmem:v6+s5+$0x0], $0xffff  }
0x5a: {  	v53 =	vand.u32 $0x7FFFFC00, v29;
	[tilespmem:s1+$0xFFFFFF20] =	vst v14;
	v14 =	vld.idx.msk [tilespmem:v16+s5+$0x0], $0xffff;
	v8 =	vor.u32 v15, v8;
	v15 =	vadd.s32 v0, v19  }
0x5b: {  	v13 =	vadd.s32 v2, v12;
	v17 =	vor.u32 v17, v53;
	v20 =	vand.u32 $0x77, v25;
	[tilespmem:s1+$0x20] =	vst v21;
	v4 =	vld.idx.msk [tilespmem:v4+s5+$0x0], $0xffff  }
0x5c: {  	v16 =	vand.u32 $0x7FFFFC00, v22;
	v22 =	vand.u32 $0x7FFFFC00, v31;
	[tilespmem:s1+$0xA0] =	vst v23;
	v9 =	vld.idx.msk [tilespmem:v9+s5+$0x0], $0xffff;
	v21 =	vadd.s32 v0, v8  }
0x5d: {  	v23 =	vor.u32 v20, v54;
	v20 =	vadd.s32 v0, v17;
	[tilespmem:s1+$0x120] =	vst v18;
	v18 =	vand.u32 $0x79, v26;
	v10 =	vld.idx.msk [tilespmem:v11+s5+$0x0], $0xffff  }
0x5e: {  	v11 =	vand.u32 $0x7B, v27;
	v16 =	vor.u32 v18, v16;
	v18 =	vadd.s32 v0, v23;
	v7 =	vld.idx.msk [tilespmem:v7+s5+$0x0], $0xffff;
	[tilespmem:s1+$0xFFFFFEB0] =	vst v5  }
0x5f: {  	v22 =	vor.u32 v11, v22;
	v11 =	vadd.s32 v0, v16;
	[tilespmem:s1+$0x1D0] =	vst v14;
	v14 =	vshll.u32 v28, $0x3;
	v15 =	vld.idx.msk [tilespmem:v15+s5+$0x0], $0xffff  }
0x60: {  	v55 =	vadd.s32 v0, v22;
	[tilespmem:s1+$0xFFFFFF30] =	vst v4;
	v5 =	vld.idx.msk [tilespmem:v13+s5+$0x0], $0xffff;
	v13 =	vand.u32 $0x7FFFFC00, v14;
	v14 =	vand.u32 $0x7D, v28  }
0x61: {  	[tilespmem:s1+$0x30] =	vst v9;
	v9 =	vadd.s32 v1, v19;
	v4 =	vor.u32 v14, v13;
	v13 =	vld.idx.msk [tilespmem:v21+s5+$0x0], $0xffff  }
0x62: {  	[tilespmem:s1+$0xFFFFFFB0] =	vst v6;
	v6 =	vadd.s32 v3, v12;
	v14 =	vld.idx.msk [tilespmem:v20+s5+$0x0], $0xffff  }
0x63: {  	[tilespmem:s1+$0xB0] =	vst v10;
	v18 =	vld.idx.msk [tilespmem:v18+s5+$0x0], $0xffff;
	v12 =	vadd.s32 v0, v4  }
0x64: {  	v10 =	vadd.s32 v1, v8;
	[tilespmem:s1+$0x130] =	vst v7;
	v11 =	vld.idx.msk [tilespmem:v11+s5+$0x0], $0xffff  }
0x65: {  	v7 =	vadd.s32 v1, v17;
	v20 =	vld.idx.msk [tilespmem:v55+s5+$0x0], $0xffff;
	[tilespmem:s1+$0xFFFFFE40] =	vst v15  }
0x66: {  	v56 =	vadd.s32 v1, v16;
	[tilespmem:s1+$0x1E0] =	vst v5;
	v59 =	vld.idx.msk [tilespmem:v9+s5+$0x0], $0xffff  }
0x67: {  	v5 =	vadd.s32 v1, v23;
	v6 =	vld.idx.msk [tilespmem:v6+s5+$0x0], $0xffff;
	[tilespmem:s1+$0xFFFFFEC0] =	vst v13  }
0x68: {  	v58 =	vadd.s32 v1, v22;
	[tilespmem:s1+$0xFFFFFF40] =	vst v14;
	v57 =	vld.idx.msk [tilespmem:v12+s5+$0x0], $0xffff  }
0x69: {  	v62 =	vadd.s32 v2, v19;
	[tilespmem:s1+$0xFFFFFFC0] =	vst v18;
	v61 =	vld.idx.msk [tilespmem:v10+s5+$0x0], $0xffff  }
0x6a: {  	v63 =	vadd.s32 v2, v8;
	v60 =	vadd.s32 v1, v4;
	v32 =	vld.idx.msk [tilespmem:v7+s5+$0x0], $0xffff;
	[tilespmem:s1+$0x40] =	vst v11  }
0x6b: {  	v15 =	vadd.s32 v2, v17;
	v9 =	vadd.s32 v3, v19;
	[tilespmem:s1+$0xC0] =	vst v20;
	v20 =	vld.idx.msk [tilespmem:v56+s5+$0x0], $0xffff  }
0x6c: {  	v14 =	vadd.s32 v2, v23;
	v13 =	vadd.s32 v2, v16;
	v21 =	vld.idx.msk [tilespmem:v5+s5+$0x0], $0xffff;
	[tilespmem:s1+$0xFFFFFE50] =	vst v59  }
0x6d: {  	v12 =	vadd.s32 v2, v22;
	v11 =	vadd.s32 v2, v4;
	v19 =	vld.idx.msk [tilespmem:v58+s5+$0x0], $0xffff;
	[tilespmem:s1+$0x1F0] =	vst v6  }
0x6e: {  	v10 =	vadd.s32 v3, v8;
	v7 =	vadd.s32 v3, v17;
	v17 =	vld.idx.msk [tilespmem:v62+s5+$0x0], $0xffff;
	[tilespmem:s1+$0x140] =	vst v57  }
0x6f: {  	v8 =	vadd.s32 v3, v23;
	v4 =	vadd.s32 v3, v4;
	[tilespmem:s1+$0xFFFFFED0] =	vst v61;
	v18 =	vld.idx.msk [tilespmem:v60+s5+$0x0], $0xffff  }
0x70: {  	s11 =	simm.s32 $0x0;
	s9 =	simm.s32 $0xC200;
	s12 =	simm.s32 $0x1F;
	v5 =	vadd.s32 v3, v22;
	v6 =	vadd.s32 v3, v16;
	[tilespmem:s1+$0xFFFFFF50] =	vst v32;
	v16 =	vld.idx.msk [tilespmem:v63+s5+$0x0], $0xffff  }
.LBB2_3:
0x71: {  	s13 =	sadd.s32 $0xFFFFFFF3, s12;
	s14 =	sadd.s32 $0xFFFFFFFF, s12;
	s11 =	sadd.s32 $0x8, s11;
	v15 =	vld.idx.msk [tilespmem:v15+s5+$0x0], $0xffff;
	[tilespmem:s1+$0xFFFFFFD0] =	vst v21  }
0x72: {  	s15 =	sadd.s32 $0xFFFFFFF7, s12;
	v21 =	vmov s13;
	s13 =	sadd.s32 $0xFFFFFFF5, s12;
	v22 =	vmov s14;
	p3 =	slt.u32 s11, $0xB8;
	v14 =	vld.idx.msk [tilespmem:v14+s5+$0x0], $0xffff;
	[tilespmem:s1+$0x50] =	vst v20  }
0x73: {  	s16 =	sadd.s32 $0xFFFFFFFB, s12;
	s17 =	sadd.s32 $0xFFFFFFFD, s12;
	v23 =	vmov s15;
	s14 =	sadd.s32 $0xFFFFFFF9, s12;
	v20 =	vmov s13;
	v24 =	vshll.u32 v22, $0x3;
	v13 =	vld.idx.msk [tilespmem:v13+s5+$0x0], $0xffff;
	[tilespmem:s1+$0xD0] =	vst v19  }
0x74: {  	s18 =	sadd.s32 $0xFFFFFFF2, s12;
	s15 =	sadd.s32 $0xFFFFFFF1, s12;
	s13 =	sadd.s32 $0xFFFFFFF4, s12;
	v19 =	vmov s14;
	v22 =	vand.u32 $0x7E, v22;
	v24 =	vand.u32 $0xC00, v24;
	v12 =	vld.idx.msk [tilespmem:v12+s5+$0x0], $0xffff;
	[tilespmem:s1+$0x150] =	vst v18  }
0x75: {  	s19 =	sadd.s32 $0xFFFFFFF6, s12;
	v25 =	vmov s16;
	s14 =	sadd.s32 $0xFFFFFFF8, s12;
	v18 =	vmov s15;
	s15 =	sadd.s32 $0xFFFFFFFA, s12;
	v22 =	vor.u32 v22, v24;
	[tilespmem:s1+$0xFFFFFE60] =	vst v17;
	v11 =	vld.idx.msk [tilespmem:v11+s5+$0x0], $0xffff  }
0x76: {  	s16 =	sadd.s32 $0xFFFFFFFC, s12;
	v17 =	vshll.u32 v18, $0x3;
	v24 =	vmov s17;
	s17 =	sadd.s32 $0xFFFFFFFE, s12;
	v26 =	vadd.s32 v0, v22;
	v9 =	vld.idx.msk [tilespmem:v9+s5+$0x0], $0xffff;
	[tilespmem:s1+$0xFFFFFEE0] =	vst v16  }
0x77: {  	v28 =	vshll.u32 v23, $0x3;
	v27 =	vshll.u32 v20, $0x3;
	v16 =	vshll.u32 v21, $0x3;
	v10 =	vld.idx.msk [tilespmem:v10+s5+$0x0], $0xffff;
	[tilespmem:s1+$0xFFFFFF60] =	vst v15  }
0x78: {  	v29 =	vshll.u32 v25, $0x3;
	v30 =	vshll.u32 v24, $0x3;
	v15 =	vshll.u32 v19, $0x3;
	v7 =	vld.idx.msk [tilespmem:v7+s5+$0x0], $0xffff;
	[tilespmem:s1+$0xFFFFFFE0] =	vst v14  }
0x79: {  	v16 =	vand.u32 $0xC00, v16;
	v14 =	vand.u32 $0xC00, v17;
	v17 =	vand.u32 $0xC00, v27;
	v8 =	vld.idx.msk [tilespmem:v8+s5+$0x0], $0xffff;
	[tilespmem:s1+$0x60] =	vst v13  }
0x7a: {  	v15 =	vand.u32 $0xC00, v15;
	v27 =	vand.u32 $0xC00, v29;
	v13 =	vand.u32 $0xC00, v28;
	v6 =	vld.idx.msk [tilespmem:v6+s5+$0x0], $0xffff;
	[tilespmem:s1+$0xE0] =	vst v12  }
0x7b: {  	v12 =	vand.u32 $0x70, v18;
	v18 =	vand.u32 $0x72, v21;
	v21 =	vand.u32 $0xC00, v30;
	v26 =	vld.idx.msk [tilespmem:v26+s5+$0x0], $0xffff;
	[tilespmem:s1+$0x160] =	vst v11  }
0x7c: {  	v19 =	vand.u32 $0x78, v19;
	v11 =	vand.u32 $0x74, v20;
	v20 =	vand.u32 $0x76, v23;
	[tilespmem:s1+$0xFFFFFE70] =	vst v9;
	v5 =	vld.idx.msk [tilespmem:v5+s5+$0x0], $0xffff  }
0x7d: {  	v23 =	vand.u32 $0x7C, v24;
	v24 =	vadd.s32 v1, v22;
	v9 =	vand.u32 $0x7A, v25;
	[tilespmem:s1+$0xFFFFFEF0] =	vst v10;
	v4 =	vld.idx.msk [tilespmem:v4+s5+$0x0], $0xffff  }
0x7e: {  	v11 =	vor.u32 v11, v17;
	v10 =	vor.u32 v12, v14;
	v12 =	vor.u32 v18, v16;
	[tilespmem:s1+$0xFFFFFF70] =	vst v7  }
0x7f: {  	v9 =	vor.u32 v9, v27;
	v7 =	vor.u32 v20, v13;
	v13 =	vor.u32 v19, v15;
	[tilespmem:s1+$0xFFFFFFF0] =	vst v8  }
0x80: {  	v14 =	vadd.s32 v0, v12;
	v15 =	vor.u32 v23, v21;
	v8 =	vadd.s32 v0, v10;
	s1 =	sadd.s32 $0x400, s1;
	[tilespmem:s9+$0x70] =	vst v6  }
0x81: {  	v16 =	vadd.s32 v0, v7;
	v17 =	vadd.s32 v0, v13;
	v6 =	vadd.s32 v0, v11;
	[tilespmem:s1+$0x180] =	vst v26  }
0x82: {  	v18 =	vadd.s32 v1, v10;
	v19 =	vadd.s32 v0, v9;
	v20 =	vadd.s32 v0, v15;
	v21 =	vld.idx.msk [tilespmem:v24+s5+$0x0], $0xffff  }
0x83: {  	v23 =	vadd.s32 v1, v12;
	v25 =	vadd.s32 v1, v7;
	v24 =	vadd.s32 v1, v11;
	[tilespmem:s9+$0xF0] =	vst v5  }
0x84: {  	v27 =	vadd.s32 v1, v9;
	v26 =	vadd.s32 v1, v13;
	v5 =	vadd.s32 v2, v22;
	[tilespmem:s9+$0x170] =	vst v4;
	s9 =	smov.u32 s1  }
0x85: {  	v29 =	vadd.s32 v2, v10;
	v30 =	vadd.s32 v2, v12;
	v31 =	vadd.s32 v1, v15;
	v28 =	vld.idx.msk [tilespmem:v8+s5+$0x0], $0xffff  }
0x86: {  	v32 =	vadd.s32 v2, v11;
	v33 =	vadd.s32 v2, v7;
	v34 =	vadd.s32 v2, v13;
	v14 =	vld.idx.msk [tilespmem:v14+s5+$0x0], $0xffff  }
0x87: {  	v36 =	vadd.s32 v2, v9;
	v10 =	vadd.s32 v3, v10;
	v37 =	vadd.s32 v2, v15;
	v35 =	vld.idx.msk [tilespmem:v6+s5+$0x0], $0xffff  }
0x88: {  	v38 =	vmov s18;
	v12 =	vadd.s32 v3, v12;
	v8 =	vadd.s32 v3, v11;
	v11 =	vld.idx.msk [tilespmem:v16+s5+$0x0], $0xffff;
	[tilespmem:s1+$0x190] =	vst v21  }
0x89: {  	v7 =	vadd.s32 v3, v7;
	v4 =	vadd.s32 v3, v9;
	v6 =	vadd.s32 v3, v13;
	v9 =	vld.idx.msk [tilespmem:v5+s5+$0x0], $0xffff  }
0x8a: {  	v13 =	vmov s13;
	v16 =	vmov s19;
	v5 =	vadd.s32 v3, v15;
	v17 =	vld.idx.msk [tilespmem:v17+s5+$0x0], $0xffff  }
0x8b: {  	v22 =	vadd.s32 v3, v22;
	v21 =	vmov s15;
	v15 =	vmov s14;
	[tilespmem:s1+$0xFFFFFE00] =	vst v28;
	v19 =	vld.idx.msk [tilespmem:v19+s5+$0x0], $0xffff  }
0x8c: {  	v39 =	vmov s17;
	v28 =	vshll.u32 v38, $0x3;
	[tilespmem:s1+$0xFFFFFE80] =	vst v14;
	v14 =	vmov s16;
	v20 =	vld.idx.msk [tilespmem:v20+s5+$0x0], $0xffff  }
0x8d: {  	v40 =	vshll.u32 v13, $0x3;
	v41 =	vshll.u32 v15, $0x3;
	v18 =	vld.idx.msk [tilespmem:v18+s5+$0x0], $0xffff;
	[tilespmem:s1+$0xFFFFFF00] =	vst v35;
	v35 =	vshll.u32 v16, $0x3  }
0x8e: {  	v43 =	vmov s12;
	v42 =	vshll.u32 v14, $0x3;
	v23 =	vld.idx.msk [tilespmem:v23+s5+$0x0], $0xffff;
	[tilespmem:s1+$0xFFFFFF80] =	vst v11;
	v11 =	vshll.u32 v21, $0x3  }
0x8f: {  	v44 =	vshll.u32 v39, $0x3;
	v28 =	vand.u32 $0xC00, v28;
	v24 =	vld.idx.msk [tilespmem:v24+s5+$0x0], $0xffff;
	[tilespmem:s1+$0x1A0] =	vst v9;
	v9 =	vshll.u32 v43, $0x3  }
0x90: {  	v40 =	vand.u32 $0x7FFFFC00, v40;
	[tilespmem:s1+$0x0] =	vst v17;
	v17 =	vld.idx.msk [tilespmem:v22+s5+$0x0], $0xffff;
	v22 =	vand.u32 $0x7F, v43;
	v9 =	vand.u32 $0x7FFFFC00, v9  }
0x91: {  	v41 =	vand.u32 $0x7FFFFC00, v41;
	v35 =	vand.u32 $0x7FFFFC00, v35;
	v25 =	vld.idx.msk [tilespmem:v25+s5+$0x0], $0xffff;
	[tilespmem:s1+$0x80] =	vst v19;
	v19 =	vor.u32 v22, v9  }
0x92: {  	v11 =	vand.u32 $0x7FFFFC00, v11;
	v22 =	vand.u32 $0x7FFFFC00, v42;
	v9 =	vld.idx.msk [tilespmem:v26+s5+$0x0], $0xffff;
	[tilespmem:s1+$0x100] =	vst v20;
	v20 =	vadd.s32 v0, v19  }
0x93: {  	v13 =	vand.u32 $0x73, v13;
	[tilespmem:s1+$0xFFFFFE10] =	vst v18;
	v18 =	vand.u32 $0x71, v38;
	v26 =	vld.idx.msk [tilespmem:v27+s5+$0x0], $0xffff;
	v27 =	vand.u32 $0x7FFFFC00, v44  }
0x94: {  	v15 =	vand.u32 $0x77, v15;
	v16 =	vand.u32 $0x75, v16;
	v21 =	vand.u32 $0x79, v21;
	[tilespmem:s1+$0xFFFFFE90] =	vst v23;
	v23 =	vld.idx.msk [tilespmem:v31+s5+$0x0], $0xffff  }
0x95: {  	v14 =	vand.u32 $0x7B, v14;
	v18 =	vor.u32 v18, v28;
	v29 =	vld.idx.msk [tilespmem:v29+s5+$0x0], $0xffff;
	[tilespmem:s1+$0xFFFFFF10] =	vst v24;
	v24 =	vand.u32 $0x7D, v39  }
0x96: {  	v16 =	vor.u32 v16, v35;
	v28 =	vld.idx.msk [tilespmem:v30+s5+$0x0], $0xffff;
	v30 =	vor.u32 v13, v40;
	[tilespmem:s1+$0x1B0] =	vst v17  }
0x97: {  	v21 =	vor.u32 v21, v11;
	v17 =	vor.u32 v15, v41;
	[tilespmem:s1+$0xFFFFFF90] =	vst v25;
	v11 =	vld.idx.msk [tilespmem:v20+s5+$0x0], $0xffff  }
0x98: {  	v20 =	vor.u32 v14, v22;
	v22 =	vor.u32 v24, v27;
	v13 =	vld.idx.msk [tilespmem:v32+s5+$0x0], $0xffff;
	[tilespmem:s1+$0x10] =	vst v9  }
0x99: {  	v24 =	vadd.s32 v0, v18;
	v14 =	vadd.s32 v1, v19;
	v9 =	vld.idx.msk [tilespmem:v33+s5+$0x0], $0xffff;
	[tilespmem:s1+$0x90] =	vst v26  }
0x9a: {  	v25 =	vadd.s32 v0, v30;
	v26 =	vadd.s32 v0, v16;
	v15 =	vld.idx.msk [tilespmem:v34+s5+$0x0], $0xffff;
	[tilespmem:s1+$0x110] =	vst v23  }
0x9b: {  	v27 =	vadd.s32 v0, v21;
	v23 =	vadd.s32 v0, v17;
	[tilespmem:s1+$0xFFFFFE20] =	vst v29;
	v29 =	vld.idx.msk [tilespmem:v36+s5+$0x0], $0xffff  }
0x9c: {  	v32 =	vadd.s32 v0, v22;
	[tilespmem:s1+$0xFFFFFEA0] =	vst v28;
	v28 =	vadd.s32 v0, v20;
	v31 =	vld.idx.msk [tilespmem:v37+s5+$0x0], $0xffff  }
0x9d: {  	v33 =	vadd.s32 v1, v18;
	v34 =	vadd.s32 v1, v30;
	v10 =	vld.idx.msk [tilespmem:v10+s5+$0x0], $0xffff;
	[tilespmem:s1+$0x1C0] =	vst v11  }
0x9e: {  	v35 =	vadd.s32 v1, v16;
	v36 =	vadd.s32 v1, v17;
	[tilespmem:s1+$0xFFFFFF20] =	vst v13;
	v37 =	vld.idx.msk [tilespmem:v14+s5+$0x0], $0xffff  }
0x9f: {  	v39 =	vadd.s32 v1, v21;
	v40 =	vadd.s32 v1, v20;
	v38 =	vld.idx.msk [tilespmem:v12+s5+$0x0], $0xffff;
	[tilespmem:s1+$0xFFFFFFA0] =	vst v9  }
0xa0: {  	v42 =	vadd.s32 v2, v19;
	v41 =	vadd.s32 v1, v22;
	v8 =	vld.idx.msk [tilespmem:v8+s5+$0x0], $0xffff;
	[tilespmem:s1+$0x20] =	vst v15  }
0xa1: {  	v43 =	vadd.s32 v2, v18;
	v44 =	vadd.s32 v2, v30;
	v45 =	vld.idx.msk [tilespmem:v7+s5+$0x0], $0xffff;
	[tilespmem:s1+$0xA0] =	vst v29  }
0xa2: {  	v14 =	vadd.s32 v2, v17;
	v15 =	vadd.s32 v2, v16;
	v29 =	vld.idx.msk [tilespmem:v6+s5+$0x0], $0xffff;
	[tilespmem:s1+$0x120] =	vst v31  }
0xa3: {  	v13 =	vadd.s32 v2, v21;
	v12 =	vadd.s32 v2, v20;
	[tilespmem:s1+$0xFFFFFE30] =	vst v10;
	v31 =	vld.idx.msk [tilespmem:v4+s5+$0x0], $0xffff  }
0xa4: {  	v11 =	vadd.s32 v2, v22;
	v9 =	vadd.s32 v3, v18;
	v18 =	vld.idx.msk [tilespmem:v5+s5+$0x0], $0xffff;
	[tilespmem:s1+$0x1D0] =	vst v37  }
0xa5: {  	v7 =	vadd.s32 v3, v16;
	v10 =	vadd.s32 v3, v30;
	[tilespmem:s1+$0xFFFFFEB0] =	vst v38;
	v16 =	vld.idx.msk [tilespmem:v42+s5+$0x0], $0xffff  }
0xa6: {  	v6 =	vadd.s32 v3, v21;
	v24 =	vld.idx.msk [tilespmem:v24+s5+$0x0], $0xffff;
	[tilespmem:s1+$0xFFFFFF30] =	vst v8;
	v8 =	vadd.s32 v3, v17  }
0xa7: {  	v19 =	vadd.s32 v3, v19;
	v5 =	vadd.s32 v3, v20;
	v17 =	vld.idx.msk [tilespmem:v25+s5+$0x0], $0xffff;
	[tilespmem:s1+$0xFFFFFFB0] =	vst v45  }
0xa8: {  	v4 =	vadd.s32 v3, v22;
	v20 =	vld.idx.msk [tilespmem:v26+s5+$0x0], $0xffff;
	[tilespmem:s1+$0x30] =	vst v29  }
0xa9: {  	v21 =	vld.idx.msk [tilespmem:v23+s5+$0x0], $0xffff;
	[tilespmem:s1+$0xB0] =	vst v31  }
0xaa: {  	v22 =	vld.idx.msk [tilespmem:v27+s5+$0x0], $0xffff;
	[tilespmem:s1+$0x130] =	vst v18  }
0xab: {  	v18 =	vld.idx.msk [tilespmem:v28+s5+$0x0], $0xffff;
	[tilespmem:s1+$0x1E0] =	vst v16  }
0xac: {  	[tilespmem:s1+$0xFFFFFE40] =	vst v24;
	v16 =	vld.idx.msk [tilespmem:v19+s5+$0x0], $0xffff  }
0xad: {  	[tilespmem:s1+$0xFFFFFEC0] =	vst v17;
	v17 =	vld.idx.msk [tilespmem:v32+s5+$0x0], $0xffff  }
0xae: {  	v23 =	vld.idx.msk [tilespmem:v33+s5+$0x0], $0xffff;
	[tilespmem:s1+$0xFFFFFF40] =	vst v20  }
0xaf: {  	v24 =	vld.idx.msk [tilespmem:v34+s5+$0x0], $0xffff;
	[tilespmem:s1+$0xFFFFFFC0] =	vst v21  }
0xb0: {  	v25 =	vld.idx.msk [tilespmem:v35+s5+$0x0], $0xffff;
	[tilespmem:s1+$0x40] =	vst v22  }
0xb1: {  	v21 =	vld.idx.msk [tilespmem:v36+s5+$0x0], $0xffff;
	[tilespmem:s1+$0xC0] =	vst v18  }
.Ltmp5:
0xb2: {  	v20 =	vld.idx.msk [tilespmem:v39+s5+$0x0], $0xffff;
	[tilespmem:s1+$0x1F0] =	vst v16;
	(pc) =	sbr.rel @p3 .LBB2_3-.Ltmp5, $4  }
0xb3: {  	v19 =	vld.idx.msk [tilespmem:v40+s5+$0x0], $0xffff;
	[tilespmem:s1+$0x140] =	vst v17  }
0xb4: {  	[tilespmem:s1+$0xFFFFFE50] =	vst v23;
	v18 =	vld.idx.msk [tilespmem:v41+s5+$0x0], $0xffff  }
0xb5: {  	v17 =	vld.idx.msk [tilespmem:v43+s5+$0x0], $0xffff;
	[tilespmem:s1+$0xFFFFFED0] =	vst v24  }
0xb6: {  	s12 =	sadd.s32 $0x10, s12;
	v16 =	vld.idx.msk [tilespmem:v44+s5+$0x0], $0xffff;
	[tilespmem:s1+$0xFFFFFF50] =	vst v25  }
0xb7: {  	_ =	sdelay $0x2  }
0xb8: {  	[tilespmem:s1+$0xFFFFFFD0] =	vst v21  }
0xb9: {  	v15 =	vld.idx.msk [tilespmem:v15+s5+$0x0], $0xffff;
	[tilespmem:s1+$0x50] =	vst v20  }
0xba: {  	v14 =	vld.idx.msk [tilespmem:v14+s5+$0x0], $0xffff;
	[tilespmem:s1+$0xD0] =	vst v19  }
0xbb: {  	v13 =	vld.idx.msk [tilespmem:v13+s5+$0x0], $0xffff;
	[tilespmem:s1+$0x150] =	vst v18  }
0xbc: {  	v12 =	vld.idx.msk [tilespmem:v12+s5+$0x0], $0xffff;
	[tilespmem:s1+$0xFFFFFE60] =	vst v17  }
0xbd: {  	v11 =	vld.idx.msk [tilespmem:v11+s5+$0x0], $0xffff;
	[tilespmem:s1+$0xFFFFFEE0] =	vst v16  }
0xbe: {  	v9 =	vld.idx.msk [tilespmem:v9+s5+$0x0], $0xffff;
	[tilespmem:s1+$0xFFFFFF60] =	vst v15  }
0xbf: {  	v10 =	vld.idx.msk [tilespmem:v10+s5+$0x0], $0xffff;
	[tilespmem:s1+$0xFFFFFFE0] =	vst v14  }
0xc0: {  	v7 =	vld.idx.msk [tilespmem:v7+s5+$0x0], $0xffff;
	[tilespmem:s1+$0x60] =	vst v13  }
0xc1: {  	v8 =	vld.idx.msk [tilespmem:v8+s5+$0x0], $0xffff;
	[tilespmem:s1+$0xE0] =	vst v12  }
0xc2: {  	v6 =	vld.idx.msk [tilespmem:v6+s5+$0x0], $0xffff;
	[tilespmem:s1+$0x160] =	vst v11  }
0xc3: {  	v5 =	vld.idx.msk [tilespmem:v5+s5+$0x0], $0xffff;
	[tilespmem:s1+$0xFFFFFE70] =	vst v9  }
0xc4: {  	v4 =	vld.idx.msk [tilespmem:v4+s5+$0x0], $0xffff;
	[tilespmem:s1+$0xFFFFFEF0] =	vst v10  }
0xc5: {  	[tilespmem:s1+$0xFFFFFF70] =	vst v7  }
.Ltmp6:
0xc6: {  	[tilespmem:s1+$0xFFFFFFF0] =	vst v8;
	(pc) =	sbr.rel @p2 .LBB2_8-.Ltmp6, $4  }
0xc7: {  	s19 =	smul.u32 $0xC00, s2;
	[tilespmem:s9+$0x70] =	vst v6  }
0xc8: {  	[tilespmem:s9+$0xF0] =	vst v5  }
0xc9: {  	s1 =	sadd.s32 s4, s19;
	[tilespmem:s9+$0x170] =	vst v4  }
0xca: {  	[hbm4b:s1+s5] =	stream.linear.scatter [tilespmem:s21], [sflag:$0x3], $0x6000, $0x38;
	[tilespmem:$0x18000] =	vst v63  }
0xcb: {  	s1 =	sadd.s32 s8, s3  }
0xcc: {  	_ =	swait.ge [sflag:s22], $0x6000;
	s2 =	simm.s32 $0xE;
	s15 =	simm.s32 $0x4  }
0xcd: {  	s16 =	simm.s32 $0x6;
	s17 =	simm.s32 $0x8;
	s18 =	simm.s32 $0x0;
	v4 =	vmov s2;
	v6 =	vmov s15  }
0xce: {  	s19 =	simm.s32 $0xA;
	s11 =	simm.s32 $0xC;
	p2 =	sgt.u32 s1, $0xA2B;
	v8 =	vmov s16;
	v9 =	vmov s17;
	v10 =	vmov s18  }
0xcf: {  	[sflag:s22] =	ssyncset.done $0x0;
	v11 =	vmov s19;
	v13 =	vmov s11;
	s1 =	smul.u32 @!p2 $0x180, s1;
	v5 =	vshll.u32 v4, $0x3  }
0xd0: {  	[sflag:s22] =	ssyncadd.s32 $0xFFFFA000;
	s2 =	simm.s32 @!p2 $0xC00;
	v4 =	vand.u32 $0x7E, v4;
	v12 =	vshll.u32 v10, $0x3;
	v5 =	vand.u32 $0xC00, v5  }
0xd1: {  	s3 =	simm.s32 @!p2 $0x7A1400;
	s9 =	simm.s32 @!p2 $0x0;
	v15 =	vshll.u32 v6, $0x3;
	v16 =	vshll.u32 v8, $0x3;
	s1 =	sadd.s32 @!p2 s0, s1;
	v4 =	vor.u32 v4, v5  }
0xd2: {  	v17 =	vshll.u32 v9, $0x3;
	v18 =	vshll.u32 v11, $0x3;
	[tilespmem:s9], [sflag:$0x1] =	stream.strided.gather @!p2 [hbm4b:s1+s2], $0x6000, s3, s2, $0x38;
	v7 =	vadd.s32 v0, v4;
	[tilespmem:$0x18000] =	vst v63  }
0xd3: {  	v19 =	vshll.u32 v13, $0x3;
	v10 =	vand.u32 $0x70, v10;
	v12 =	vand.u32 $0xC00, v12;
	s9 =	simm.s32 @!p1 $0x4  }
0xd4: {  	v6 =	vand.u32 $0x74, v6;
	v8 =	vand.u32 $0x76, v8;
	v10 =	vor.u32 v10, v12;
	_ =	swait.ge @!p1 [sflag:s9], $0x6000  }
0xd5: {  	s14 =	simm.s32 $0x2;
	v9 =	vand.u32 $0x78, v9;
	v15 =	vand.u32 $0xC00, v15;
	v12 =	vadd.s32 v0, v10;
	[sflag:s9] =	ssyncset.done @!p1 $0x0  }
0xd6: {  	v16 =	vand.u32 $0xC00, v16;
	v5 =	vmov s14;
	v6 =	vor.u32 v6, v15;
	[sflag:s9] =	ssyncadd.s32 @!p1 $0xFFFFA000  }
0xd7: {  	v8 =	vor.u32 v8, v16;
	v14 =	vshll.u32 v5, $0x3;
	v16 =	vadd.s32 v0, v6;
	v7 =	vld.idx.msk [tilespmem:v7+s23+$0x0], $0xffff  }
0xd8: {  	v20 =	vadd.s32 v1, v4;
	v5 =	vand.u32 $0x72, v5;
	v14 =	vand.u32 $0xC00, v14  }
0xd9: {  	v15 =	vand.u32 $0xC00, v18;
	v18 =	vadd.s32 v0, v8;
	v5 =	vor.u32 v5, v14  }
0xda: {  	v11 =	vand.u32 $0x7A, v11;
	v17 =	vand.u32 $0xC00, v17;
	v14 =	vadd.s32 v0, v5;
	v12 =	vld.idx.msk [tilespmem:v12+s23+$0x0], $0xffff  }
0xdb: {  	v13 =	vand.u32 $0x7C, v13;
	v9 =	vor.u32 v9, v17;
	s1 =	simm.s32 $0x12200;
	v21 =	vadd.s32 v1, v10  }
0xdc: {  	v11 =	vor.u32 v11, v15;
	v15 =	vadd.s32 v0, v9;
	v16 =	vld.idx.msk [tilespmem:v16+s23+$0x0], $0xffff;
	[tilespmem:s1+$0x180] =	vst v7;
	v7 =	vand.u32 $0xC00, v19  }
0xdd: {  	v19 =	vld.idx.msk [tilespmem:v20+s23+$0x0], $0xffff;
	v7 =	vor.u32 v13, v7;
	v13 =	vadd.s32 v0, v11  }
0xde: {  	v17 =	vadd.s32 v2, v4;
	v18 =	vld.idx.msk [tilespmem:v18+s23+$0x0], $0xffff  }
0xdf: {  	v22 =	vadd.s32 v1, v6;
	v14 =	vld.idx.msk [tilespmem:v14+s23+$0x0], $0xffff;
	[tilespmem:s1+$0xFFFFFE00] =	vst v12  }
0xe0: {  	v21 =	vld.idx.msk [tilespmem:v21+s23+$0x0], $0xffff;
	v20 =	vadd.s32 v0, v7  }
0xe1: {  	v24 =	vadd.s32 v2, v10;
	v15 =	vld.idx.msk [tilespmem:v15+s23+$0x0], $0xffff  }
0xe2: {  	[tilespmem:s1+$0x190] =	vst v19;
	v19 =	vadd.s32 v1, v5;
	v12 =	vld.idx.msk [tilespmem:v13+s23+$0x0], $0xffff  }
0xe3: {  	[tilespmem:s1+$0xFFFFFF00] =	vst v16;
	v13 =	vadd.s32 v1, v8;
	v17 =	vld.idx.msk [tilespmem:v17+s23+$0x0], $0xffff  }
0xe4: {  	v4 =	vadd.s32 v3, v4;
	v22 =	vld.idx.msk [tilespmem:v22+s23+$0x0], $0xffff;
	[tilespmem:s1+$0xFFFFFE80] =	vst v14  }
0xe5: {  	[tilespmem:s1+$0xFFFFFE10] =	vst v21;
	v14 =	vld.idx.msk [tilespmem:v20+s23+$0x0], $0xffff;
	v20 =	vadd.s32 v1, v9  }
0xe6: {  	s12 =	simm.s32 $0xF;
	v16 =	vadd.s32 v1, v11;
	[tilespmem:s1+$0xFFFFFF80] =	vst v18;
	v24 =	vld.idx.msk [tilespmem:v24+s23+$0x0], $0xffff  }
0xe7: {  	v10 =	vadd.s32 v3, v10;
	v18 =	vmov s12;
	[tilespmem:s1+$0x0] =	vst v15;
	v19 =	vld.idx.msk [tilespmem:v19+s23+$0x0], $0xffff  }
0xe8: {  	v23 =	vadd.s32 v1, v7;
	v13 =	vld.idx.msk [tilespmem:v13+s23+$0x0], $0xffff;
	[tilespmem:s1+$0x1A0] =	vst v17;
	v17 =	vshll.u32 v18, $0x3  }
0xe9: {  	v15 =	vand.u32 $0x7F, v18;
	[tilespmem:s1+$0x80] =	vst v12;
	v18 =	vadd.s32 v2, v5;
	v4 =	vld.idx.msk [tilespmem:v4+s23+$0x0], $0xffff;
	v17 =	vand.u32 $0x7FFFFC00, v17  }
0xea: {  	[tilespmem:s1+$0x100] =	vst v14;
	v12 =	vor.u32 v15, v17;
	v15 =	vld.idx.msk [tilespmem:v20+s23+$0x0], $0xffff;
	v20 =	vadd.s32 v2, v8  }
0xeb: {  	v16 =	vld.idx.msk [tilespmem:v16+s23+$0x0], $0xffff;
	[tilespmem:s1+$0xFFFFFE20] =	vst v24;
	v14 =	vadd.s32 v0, v12  }
0xec: {  	s16 =	simm.s32 $0x7;
	s17 =	simm.s32 $0x9;
	[tilespmem:s1+$0xFFFFFF10] =	vst v22;
	v10 =	vld.idx.msk [tilespmem:v10+s23+$0x0], $0xffff;
	v17 =	vadd.s32 v2, v6  }
0xed: {  	s18 =	simm.s32 $0xB;
	s19 =	simm.s32 $0xD;
	v25 =	vmov s16;
	v26 =	vmov s17;
	v21 =	vadd.s32 v2, v9;
	[tilespmem:s1+$0xFFFFFE90] =	vst v19;
	v19 =	vld.idx.msk [tilespmem:v23+s23+$0x0], $0xffff  }
0xee: {  	v27 =	vmov s18;
	v28 =	vmov s19;
	v23 =	vadd.s32 v2, v11;
	[tilespmem:s1+$0xFFFFFF90] =	vst v13;
	v18 =	vld.idx.msk [tilespmem:v18+s23+$0x0], $0xffff  }
0xef: {  	v30 =	vshll.u32 v25, $0x3;
	v22 =	vadd.s32 v2, v7;
	v5 =	vadd.s32 v3, v5;
	[tilespmem:s1+$0x1B0] =	vst v4;
	v20 =	vld.idx.msk [tilespmem:v20+s23+$0x0], $0xffff  }
0xf0: {  	v31 =	vshll.u32 v27, $0x3;
	[tilespmem:s1+$0x90] =	vst v16;
	v4 =	vadd.s32 v3, v6;
	v6 =	vadd.s32 v3, v8;
	v8 =	vld.idx.msk [tilespmem:v14+s23+$0x0], $0xffff  }
0xf1: {  	s13 =	simm.s32 $0x1;
	s14 =	simm.s32 $0x3;
	v54 =	vand.u32 $0x7FFFFC00, v30;
	v7 =	vadd.s32 v3, v7;
	v9 =	vadd.s32 v3, v9;
	[tilespmem:s1+$0x10] =	vst v15;
	v14 =	vld.idx.msk [tilespmem:v17+s23+$0x0], $0xffff  }
0xf2: {  	s15 =	simm.s32 $0x5;
	v13 =	vmov s13;
	v16 =	vadd.s32 v1, v12;
	[tilespmem:s1+$0xFFFFFE30] =	vst v10;
	v15 =	vmov s14;
	v21 =	vld.idx.msk [tilespmem:v21+s23+$0x0], $0xffff  }
0xf3: {  	v11 =	vadd.s32 v3, v11;
	v17 =	vmov s15;
	v52 =	vshll.u32 v15, $0x3;
	[tilespmem:s1+$0x110] =	vst v19;
	v23 =	vld.idx.msk [tilespmem:v23+s23+$0x0], $0xffff  }
0xf4: {  	v15 =	vand.u32 $0x73, v15;
	v19 =	vshll.u32 v13, $0x3;
	v29 =	vshll.u32 v17, $0x3;
	[tilespmem:s1+$0xFFFFFEA0] =	vst v18;
	v18 =	vld.idx.msk [tilespmem:v22+s23+$0x0], $0xffff  }
0xf5: {  	v13 =	vand.u32 $0x71, v13;
	v17 =	vand.u32 $0x75, v17;
	v19 =	vand.u32 $0xC00, v19;
	v5 =	vld.idx.msk [tilespmem:v5+s23+$0x0], $0xffff;
	[tilespmem:s1+$0xFFFFFFA0] =	vst v20  }
0xf6: {  	v22 =	vshll.u32 v26, $0x3;
	v19 =	vor.u32 v13, v19;
	[tilespmem:s1+$0x1C0] =	vst v8;
	v8 =	vand.u32 $0x7FFFFC00, v52;
	v6 =	vld.idx.msk [tilespmem:v6+s23+$0x0], $0xffff  }
0xf7: {  	v53 =	vand.u32 $0x7FFFFC00, v29;
	[tilespmem:s1+$0xFFFFFF20] =	vst v14;
	v14 =	vld.idx.msk [tilespmem:v16+s23+$0x0], $0xffff;
	v8 =	vor.u32 v15, v8;
	v15 =	vadd.s32 v0, v19  }
0xf8: {  	v13 =	vadd.s32 v2, v12;
	v17 =	vor.u32 v17, v53;
	v20 =	vand.u32 $0x77, v25;
	[tilespmem:s1+$0x20] =	vst v21;
	v4 =	vld.idx.msk [tilespmem:v4+s23+$0x0], $0xffff  }
0xf9: {  	v16 =	vand.u32 $0x7FFFFC00, v22;
	v22 =	vand.u32 $0x7FFFFC00, v31;
	[tilespmem:s1+$0xA0] =	vst v23;
	v9 =	vld.idx.msk [tilespmem:v9+s23+$0x0], $0xffff;
	v21 =	vadd.s32 v0, v8  }
0xfa: {  	v23 =	vor.u32 v20, v54;
	v20 =	vadd.s32 v0, v17;
	[tilespmem:s1+$0x120] =	vst v18;
	v18 =	vand.u32 $0x79, v26;
	v10 =	vld.idx.msk [tilespmem:v11+s23+$0x0], $0xffff  }
0xfb: {  	v11 =	vand.u32 $0x7B, v27;
	v16 =	vor.u32 v18, v16;
	v18 =	vadd.s32 v0, v23;
	v7 =	vld.idx.msk [tilespmem:v7+s23+$0x0], $0xffff;
	[tilespmem:s1+$0xFFFFFEB0] =	vst v5  }
0xfc: {  	v22 =	vor.u32 v11, v22;
	v11 =	vadd.s32 v0, v16;
	[tilespmem:s1+$0x1D0] =	vst v14;
	v14 =	vshll.u32 v28, $0x3;
	v15 =	vld.idx.msk [tilespmem:v15+s23+$0x0], $0xffff  }
0xfd: {  	v55 =	vadd.s32 v0, v22;
	[tilespmem:s1+$0xFFFFFF30] =	vst v4;
	v5 =	vld.idx.msk [tilespmem:v13+s23+$0x0], $0xffff;
	v13 =	vand.u32 $0x7FFFFC00, v14;
	v14 =	vand.u32 $0x7D, v28  }
0xfe: {  	[tilespmem:s1+$0x30] =	vst v9;
	v9 =	vadd.s32 v1, v19;
	v4 =	vor.u32 v14, v13;
	v13 =	vld.idx.msk [tilespmem:v21+s23+$0x0], $0xffff  }
0xff: {  	[tilespmem:s1+$0xFFFFFFB0] =	vst v6;
	v6 =	vadd.s32 v3, v12;
	v14 =	vld.idx.msk [tilespmem:v20+s23+$0x0], $0xffff  }
0x100: {  	[tilespmem:s1+$0xB0] =	vst v10;
	v18 =	vld.idx.msk [tilespmem:v18+s23+$0x0], $0xffff;
	v12 =	vadd.s32 v0, v4  }
0x101: {  	v10 =	vadd.s32 v1, v8;
	[tilespmem:s1+$0x130] =	vst v7;
	v11 =	vld.idx.msk [tilespmem:v11+s23+$0x0], $0xffff  }
0x102: {  	v7 =	vadd.s32 v1, v17;
	v20 =	vld.idx.msk [tilespmem:v55+s23+$0x0], $0xffff;
	[tilespmem:s1+$0xFFFFFE40] =	vst v15  }
0x103: {  	v56 =	vadd.s32 v1, v16;
	[tilespmem:s1+$0x1E0] =	vst v5;
	v59 =	vld.idx.msk [tilespmem:v9+s23+$0x0], $0xffff  }
0x104: {  	v5 =	vadd.s32 v1, v23;
	v6 =	vld.idx.msk [tilespmem:v6+s23+$0x0], $0xffff;
	[tilespmem:s1+$0xFFFFFEC0] =	vst v13  }
0x105: {  	v58 =	vadd.s32 v1, v22;
	[tilespmem:s1+$0xFFFFFF40] =	vst v14;
	v57 =	vld.idx.msk [tilespmem:v12+s23+$0x0], $0xffff  }
0x106: {  	v62 =	vadd.s32 v2, v19;
	[tilespmem:s1+$0xFFFFFFC0] =	vst v18;
	v61 =	vld.idx.msk [tilespmem:v10+s23+$0x0], $0xffff  }
0x107: {  	v63 =	vadd.s32 v2, v8;
	v60 =	vadd.s32 v1, v4;
	v32 =	vld.idx.msk [tilespmem:v7+s23+$0x0], $0xffff;
	[tilespmem:s1+$0x40] =	vst v11  }
0x108: {  	v15 =	vadd.s32 v2, v17;
	v9 =	vadd.s32 v3, v19;
	[tilespmem:s1+$0xC0] =	vst v20;
	v20 =	vld.idx.msk [tilespmem:v56+s23+$0x0], $0xffff  }
0x109: {  	v14 =	vadd.s32 v2, v23;
	v13 =	vadd.s32 v2, v16;
	v21 =	vld.idx.msk [tilespmem:v5+s23+$0x0], $0xffff;
	[tilespmem:s1+$0xFFFFFE50] =	vst v59  }
0x10a: {  	v12 =	vadd.s32 v2, v22;
	v11 =	vadd.s32 v2, v4;
	v19 =	vld.idx.msk [tilespmem:v58+s23+$0x0], $0xffff;
	[tilespmem:s1+$0x1F0] =	vst v6  }
0x10b: {  	v10 =	vadd.s32 v3, v8;
	v7 =	vadd.s32 v3, v17;
	v17 =	vld.idx.msk [tilespmem:v62+s23+$0x0], $0xffff;
	[tilespmem:s1+$0x140] =	vst v57  }
0x10c: {  	v8 =	vadd.s32 v3, v23;
	v4 =	vadd.s32 v3, v4;
	[tilespmem:s1+$0xFFFFFED0] =	vst v61;
	v18 =	vld.idx.msk [tilespmem:v60+s23+$0x0], $0xffff  }
0x10d: {  	s3 =	simm.s32 $0x0;
	s2 =	simm.s32 $0x12200;
	s9 =	simm.s32 $0x1F;
	v5 =	vadd.s32 v3, v22;
	v6 =	vadd.s32 v3, v16;
	[tilespmem:s1+$0xFFFFFF50] =	vst v32;
	v16 =	vld.idx.msk [tilespmem:v63+s23+$0x0], $0xffff  }
.LBB2_6:
0x10e: {  	s11 =	sadd.s32 $0xFFFFFFF3, s9;
	s12 =	sadd.s32 $0xFFFFFFFF, s9;
	s3 =	sadd.s32 $0x8, s3;
	v15 =	vld.idx.msk [tilespmem:v15+s23+$0x0], $0xffff;
	[tilespmem:s1+$0xFFFFFFD0] =	vst v21  }
0x10f: {  	s13 =	sadd.s32 $0xFFFFFFF7, s9;
	v21 =	vmov s11;
	s11 =	sadd.s32 $0xFFFFFFF5, s9;
	v22 =	vmov s12;
	p1 =	slt.u32 s3, $0xB8;
	v14 =	vld.idx.msk [tilespmem:v14+s23+$0x0], $0xffff;
	[tilespmem:s1+$0x50] =	vst v20  }
0x110: {  	s14 =	sadd.s32 $0xFFFFFFFB, s9;
	s15 =	sadd.s32 $0xFFFFFFFD, s9;
	v23 =	vmov s13;
	s12 =	sadd.s32 $0xFFFFFFF9, s9;
	v20 =	vmov s11;
	v24 =	vshll.u32 v22, $0x3;
	v13 =	vld.idx.msk [tilespmem:v13+s23+$0x0], $0xffff;
	[tilespmem:s1+$0xD0] =	vst v19  }
0x111: {  	s17 =	sadd.s32 $0xFFFFFFF2, s9;
	s13 =	sadd.s32 $0xFFFFFFF1, s9;
	s11 =	sadd.s32 $0xFFFFFFF4, s9;
	v19 =	vmov s12;
	v22 =	vand.u32 $0x7E, v22;
	v24 =	vand.u32 $0xC00, v24;
	v12 =	vld.idx.msk [tilespmem:v12+s23+$0x0], $0xffff;
	[tilespmem:s1+$0x150] =	vst v18  }
0x112: {  	s16 =	sadd.s32 $0xFFFFFFF6, s9;
	v25 =	vmov s14;
	s12 =	sadd.s32 $0xFFFFFFF8, s9;
	v18 =	vmov s13;
	s13 =	sadd.s32 $0xFFFFFFFA, s9;
	v22 =	vor.u32 v22, v24;
	[tilespmem:s1+$0xFFFFFE60] =	vst v17;
	v11 =	vld.idx.msk [tilespmem:v11+s23+$0x0], $0xffff  }
0x113: {  	s14 =	sadd.s32 $0xFFFFFFFC, s9;
	v17 =	vshll.u32 v18, $0x3;
	v24 =	vmov s15;
	s15 =	sadd.s32 $0xFFFFFFFE, s9;
	v26 =	vadd.s32 v0, v22;
	v9 =	vld.idx.msk [tilespmem:v9+s23+$0x0], $0xffff;
	[tilespmem:s1+$0xFFFFFEE0] =	vst v16  }
0x114: {  	v28 =	vshll.u32 v23, $0x3;
	v27 =	vshll.u32 v20, $0x3;
	v16 =	vshll.u32 v21, $0x3;
	v10 =	vld.idx.msk [tilespmem:v10+s23+$0x0], $0xffff;
	[tilespmem:s1+$0xFFFFFF60] =	vst v15  }
0x115: {  	v29 =	vshll.u32 v25, $0x3;
	v30 =	vshll.u32 v24, $0x3;
	v15 =	vshll.u32 v19, $0x3;
	v7 =	vld.idx.msk [tilespmem:v7+s23+$0x0], $0xffff;
	[tilespmem:s1+$0xFFFFFFE0] =	vst v14  }
0x116: {  	v16 =	vand.u32 $0xC00, v16;
	v14 =	vand.u32 $0xC00, v17;
	v17 =	vand.u32 $0xC00, v27;
	v8 =	vld.idx.msk [tilespmem:v8+s23+$0x0], $0xffff;
	[tilespmem:s1+$0x60] =	vst v13  }
0x117: {  	v15 =	vand.u32 $0xC00, v15;
	v27 =	vand.u32 $0xC00, v29;
	v13 =	vand.u32 $0xC00, v28;
	v6 =	vld.idx.msk [tilespmem:v6+s23+$0x0], $0xffff;
	[tilespmem:s1+$0xE0] =	vst v12  }
0x118: {  	v12 =	vand.u32 $0x70, v18;
	v18 =	vand.u32 $0x72, v21;
	v21 =	vand.u32 $0xC00, v30;
	v26 =	vld.idx.msk [tilespmem:v26+s23+$0x0], $0xffff;
	[tilespmem:s1+$0x160] =	vst v11  }
0x119: {  	v19 =	vand.u32 $0x78, v19;
	v11 =	vand.u32 $0x74, v20;
	v20 =	vand.u32 $0x76, v23;
	[tilespmem:s1+$0xFFFFFE70] =	vst v9;
	v5 =	vld.idx.msk [tilespmem:v5+s23+$0x0], $0xffff  }
0x11a: {  	v23 =	vand.u32 $0x7C, v24;
	v24 =	vadd.s32 v1, v22;
	v9 =	vand.u32 $0x7A, v25;
	[tilespmem:s1+$0xFFFFFEF0] =	vst v10;
	v4 =	vld.idx.msk [tilespmem:v4+s23+$0x0], $0xffff  }
0x11b: {  	v11 =	vor.u32 v11, v17;
	v10 =	vor.u32 v12, v14;
	v12 =	vor.u32 v18, v16;
	[tilespmem:s1+$0xFFFFFF70] =	vst v7  }
0x11c: {  	v9 =	vor.u32 v9, v27;
	v7 =	vor.u32 v20, v13;
	v13 =	vor.u32 v19, v15;
	[tilespmem:s1+$0xFFFFFFF0] =	vst v8  }
0x11d: {  	v14 =	vadd.s32 v0, v12;
	v15 =	vor.u32 v23, v21;
	v8 =	vadd.s32 v0, v10;
	s1 =	sadd.s32 $0x400, s1;
	[tilespmem:s2+$0x70] =	vst v6  }
0x11e: {  	v16 =	vadd.s32 v0, v7;
	v17 =	vadd.s32 v0, v13;
	v6 =	vadd.s32 v0, v11;
	[tilespmem:s1+$0x180] =	vst v26  }
0x11f: {  	v18 =	vadd.s32 v1, v10;
	v19 =	vadd.s32 v0, v9;
	v20 =	vadd.s32 v0, v15;
	v21 =	vld.idx.msk [tilespmem:v24+s23+$0x0], $0xffff  }
0x120: {  	v23 =	vadd.s32 v1, v12;
	v25 =	vadd.s32 v1, v7;
	v24 =	vadd.s32 v1, v11;
	[tilespmem:s2+$0xF0] =	vst v5  }
0x121: {  	v27 =	vadd.s32 v1, v9;
	v26 =	vadd.s32 v1, v13;
	v5 =	vadd.s32 v2, v22;
	[tilespmem:s2+$0x170] =	vst v4;
	s2 =	smov.u32 s1  }
0x122: {  	v29 =	vadd.s32 v2, v10;
	v30 =	vadd.s32 v2, v12;
	v31 =	vadd.s32 v1, v15;
	v28 =	vld.idx.msk [tilespmem:v8+s23+$0x0], $0xffff  }
0x123: {  	v32 =	vadd.s32 v2, v11;
	v33 =	vadd.s32 v2, v7;
	v34 =	vadd.s32 v2, v13;
	v14 =	vld.idx.msk [tilespmem:v14+s23+$0x0], $0xffff  }
0x124: {  	v36 =	vadd.s32 v2, v9;
	v10 =	vadd.s32 v3, v10;
	v37 =	vadd.s32 v2, v15;
	v35 =	vld.idx.msk [tilespmem:v6+s23+$0x0], $0xffff  }
0x125: {  	v38 =	vmov s17;
	v12 =	vadd.s32 v3, v12;
	v8 =	vadd.s32 v3, v11;
	v11 =	vld.idx.msk [tilespmem:v16+s23+$0x0], $0xffff;
	[tilespmem:s1+$0x190] =	vst v21  }
0x126: {  	v7 =	vadd.s32 v3, v7;
	v4 =	vadd.s32 v3, v9;
	v6 =	vadd.s32 v3, v13;
	v9 =	vld.idx.msk [tilespmem:v5+s23+$0x0], $0xffff  }
0x127: {  	v13 =	vmov s11;
	v16 =	vmov s16;
	v5 =	vadd.s32 v3, v15;
	v17 =	vld.idx.msk [tilespmem:v17+s23+$0x0], $0xffff  }
0x128: {  	v22 =	vadd.s32 v3, v22;
	v21 =	vmov s13;
	v15 =	vmov s12;
	[tilespmem:s1+$0xFFFFFE00] =	vst v28;
	v19 =	vld.idx.msk [tilespmem:v19+s23+$0x0], $0xffff  }
0x129: {  	v39 =	vmov s15;
	v28 =	vshll.u32 v38, $0x3;
	[tilespmem:s1+$0xFFFFFE80] =	vst v14;
	v14 =	vmov s14;
	v20 =	vld.idx.msk [tilespmem:v20+s23+$0x0], $0xffff  }
0x12a: {  	v40 =	vshll.u32 v13, $0x3;
	v41 =	vshll.u32 v15, $0x3;
	v18 =	vld.idx.msk [tilespmem:v18+s23+$0x0], $0xffff;
	[tilespmem:s1+$0xFFFFFF00] =	vst v35;
	v35 =	vshll.u32 v16, $0x3  }
0x12b: {  	v43 =	vmov s9;
	v42 =	vshll.u32 v14, $0x3;
	v23 =	vld.idx.msk [tilespmem:v23+s23+$0x0], $0xffff;
	[tilespmem:s1+$0xFFFFFF80] =	vst v11;
	v11 =	vshll.u32 v21, $0x3  }
0x12c: {  	v44 =	vshll.u32 v39, $0x3;
	v28 =	vand.u32 $0xC00, v28;
	v24 =	vld.idx.msk [tilespmem:v24+s23+$0x0], $0xffff;
	[tilespmem:s1+$0x1A0] =	vst v9;
	v9 =	vshll.u32 v43, $0x3  }
0x12d: {  	v40 =	vand.u32 $0x7FFFFC00, v40;
	[tilespmem:s1+$0x0] =	vst v17;
	v17 =	vld.idx.msk [tilespmem:v22+s23+$0x0], $0xffff;
	v22 =	vand.u32 $0x7F, v43;
	v9 =	vand.u32 $0x7FFFFC00, v9  }
0x12e: {  	v41 =	vand.u32 $0x7FFFFC00, v41;
	v35 =	vand.u32 $0x7FFFFC00, v35;
	v25 =	vld.idx.msk [tilespmem:v25+s23+$0x0], $0xffff;
	[tilespmem:s1+$0x80] =	vst v19;
	v19 =	vor.u32 v22, v9  }
0x12f: {  	v11 =	vand.u32 $0x7FFFFC00, v11;
	v22 =	vand.u32 $0x7FFFFC00, v42;
	v9 =	vld.idx.msk [tilespmem:v26+s23+$0x0], $0xffff;
	[tilespmem:s1+$0x100] =	vst v20;
	v20 =	vadd.s32 v0, v19  }
0x130: {  	v13 =	vand.u32 $0x73, v13;
	[tilespmem:s1+$0xFFFFFE10] =	vst v18;
	v18 =	vand.u32 $0x71, v38;
	v26 =	vld.idx.msk [tilespmem:v27+s23+$0x0], $0xffff;
	v27 =	vand.u32 $0x7FFFFC00, v44  }
0x131: {  	v15 =	vand.u32 $0x77, v15;
	v16 =	vand.u32 $0x75, v16;
	v21 =	vand.u32 $0x79, v21;
	[tilespmem:s1+$0xFFFFFE90] =	vst v23;
	v23 =	vld.idx.msk [tilespmem:v31+s23+$0x0], $0xffff  }
0x132: {  	v14 =	vand.u32 $0x7B, v14;
	v18 =	vor.u32 v18, v28;
	v29 =	vld.idx.msk [tilespmem:v29+s23+$0x0], $0xffff;
	[tilespmem:s1+$0xFFFFFF10] =	vst v24;
	v24 =	vand.u32 $0x7D, v39  }
0x133: {  	v16 =	vor.u32 v16, v35;
	v28 =	vld.idx.msk [tilespmem:v30+s23+$0x0], $0xffff;
	v30 =	vor.u32 v13, v40;
	[tilespmem:s1+$0x1B0] =	vst v17  }
0x134: {  	v21 =	vor.u32 v21, v11;
	v17 =	vor.u32 v15, v41;
	[tilespmem:s1+$0xFFFFFF90] =	vst v25;
	v11 =	vld.idx.msk [tilespmem:v20+s23+$0x0], $0xffff  }
0x135: {  	v20 =	vor.u32 v14, v22;
	v22 =	vor.u32 v24, v27;
	v13 =	vld.idx.msk [tilespmem:v32+s23+$0x0], $0xffff;
	[tilespmem:s1+$0x10] =	vst v9  }
0x136: {  	v24 =	vadd.s32 v0, v18;
	v14 =	vadd.s32 v1, v19;
	v9 =	vld.idx.msk [tilespmem:v33+s23+$0x0], $0xffff;
	[tilespmem:s1+$0x90] =	vst v26  }
0x137: {  	v25 =	vadd.s32 v0, v30;
	v26 =	vadd.s32 v0, v16;
	v15 =	vld.idx.msk [tilespmem:v34+s23+$0x0], $0xffff;
	[tilespmem:s1+$0x110] =	vst v23  }
0x138: {  	v27 =	vadd.s32 v0, v21;
	v23 =	vadd.s32 v0, v17;
	[tilespmem:s1+$0xFFFFFE20] =	vst v29;
	v29 =	vld.idx.msk [tilespmem:v36+s23+$0x0], $0xffff  }
0x139: {  	v32 =	vadd.s32 v0, v22;
	[tilespmem:s1+$0xFFFFFEA0] =	vst v28;
	v28 =	vadd.s32 v0, v20;
	v31 =	vld.idx.msk [tilespmem:v37+s23+$0x0], $0xffff  }
0x13a: {  	v33 =	vadd.s32 v1, v18;
	v34 =	vadd.s32 v1, v30;
	v10 =	vld.idx.msk [tilespmem:v10+s23+$0x0], $0xffff;
	[tilespmem:s1+$0x1C0] =	vst v11  }
0x13b: {  	v35 =	vadd.s32 v1, v16;
	v36 =	vadd.s32 v1, v17;
	[tilespmem:s1+$0xFFFFFF20] =	vst v13;
	v37 =	vld.idx.msk [tilespmem:v14+s23+$0x0], $0xffff  }
0x13c: {  	v39 =	vadd.s32 v1, v21;
	v40 =	vadd.s32 v1, v20;
	v38 =	vld.idx.msk [tilespmem:v12+s23+$0x0], $0xffff;
	[tilespmem:s1+$0xFFFFFFA0] =	vst v9  }
0x13d: {  	v42 =	vadd.s32 v2, v19;
	v41 =	vadd.s32 v1, v22;
	v8 =	vld.idx.msk [tilespmem:v8+s23+$0x0], $0xffff;
	[tilespmem:s1+$0x20] =	vst v15  }
0x13e: {  	v43 =	vadd.s32 v2, v18;
	v44 =	vadd.s32 v2, v30;
	v45 =	vld.idx.msk [tilespmem:v7+s23+$0x0], $0xffff;
	[tilespmem:s1+$0xA0] =	vst v29  }
0x13f: {  	v14 =	vadd.s32 v2, v17;
	v15 =	vadd.s32 v2, v16;
	v29 =	vld.idx.msk [tilespmem:v6+s23+$0x0], $0xffff;
	[tilespmem:s1+$0x120] =	vst v31  }
0x140: {  	v13 =	vadd.s32 v2, v21;
	v12 =	vadd.s32 v2, v20;
	[tilespmem:s1+$0xFFFFFE30] =	vst v10;
	v31 =	vld.idx.msk [tilespmem:v4+s23+$0x0], $0xffff  }
0x141: {  	v11 =	vadd.s32 v2, v22;
	v9 =	vadd.s32 v3, v18;
	v18 =	vld.idx.msk [tilespmem:v5+s23+$0x0], $0xffff;
	[tilespmem:s1+$0x1D0] =	vst v37  }
0x142: {  	v7 =	vadd.s32 v3, v16;
	v10 =	vadd.s32 v3, v30;
	[tilespmem:s1+$0xFFFFFEB0] =	vst v38;
	v16 =	vld.idx.msk [tilespmem:v42+s23+$0x0], $0xffff  }
0x143: {  	v6 =	vadd.s32 v3, v21;
	v24 =	vld.idx.msk [tilespmem:v24+s23+$0x0], $0xffff;
	[tilespmem:s1+$0xFFFFFF30] =	vst v8;
	v8 =	vadd.s32 v3, v17  }
0x144: {  	v19 =	vadd.s32 v3, v19;
	v5 =	vadd.s32 v3, v20;
	v17 =	vld.idx.msk [tilespmem:v25+s23+$0x0], $0xffff;
	[tilespmem:s1+$0xFFFFFFB0] =	vst v45  }
0x145: {  	v4 =	vadd.s32 v3, v22;
	v20 =	vld.idx.msk [tilespmem:v26+s23+$0x0], $0xffff;
	[tilespmem:s1+$0x30] =	vst v29  }
0x146: {  	v21 =	vld.idx.msk [tilespmem:v23+s23+$0x0], $0xffff;
	[tilespmem:s1+$0xB0] =	vst v31  }
0x147: {  	v22 =	vld.idx.msk [tilespmem:v27+s23+$0x0], $0xffff;
	[tilespmem:s1+$0x130] =	vst v18  }
0x148: {  	v18 =	vld.idx.msk [tilespmem:v28+s23+$0x0], $0xffff;
	[tilespmem:s1+$0x1E0] =	vst v16  }
0x149: {  	[tilespmem:s1+$0xFFFFFE40] =	vst v24;
	v16 =	vld.idx.msk [tilespmem:v19+s23+$0x0], $0xffff  }
0x14a: {  	[tilespmem:s1+$0xFFFFFEC0] =	vst v17;
	v17 =	vld.idx.msk [tilespmem:v32+s23+$0x0], $0xffff  }
0x14b: {  	v23 =	vld.idx.msk [tilespmem:v33+s23+$0x0], $0xffff;
	[tilespmem:s1+$0xFFFFFF40] =	vst v20  }
0x14c: {  	v24 =	vld.idx.msk [tilespmem:v34+s23+$0x0], $0xffff;
	[tilespmem:s1+$0xFFFFFFC0] =	vst v21  }
0x14d: {  	v25 =	vld.idx.msk [tilespmem:v35+s23+$0x0], $0xffff;
	[tilespmem:s1+$0x40] =	vst v22  }
0x14e: {  	v21 =	vld.idx.msk [tilespmem:v36+s23+$0x0], $0xffff;
	[tilespmem:s1+$0xC0] =	vst v18  }
.Ltmp7:
0x14f: {  	v20 =	vld.idx.msk [tilespmem:v39+s23+$0x0], $0xffff;
	[tilespmem:s1+$0x1F0] =	vst v16;
	(pc) =	sbr.rel @p1 .LBB2_6-.Ltmp7, $4  }
0x150: {  	v19 =	vld.idx.msk [tilespmem:v40+s23+$0x0], $0xffff;
	[tilespmem:s1+$0x140] =	vst v17  }
0x151: {  	[tilespmem:s1+$0xFFFFFE50] =	vst v23;
	v18 =	vld.idx.msk [tilespmem:v41+s23+$0x0], $0xffff  }
0x152: {  	v17 =	vld.idx.msk [tilespmem:v43+s23+$0x0], $0xffff;
	[tilespmem:s1+$0xFFFFFED0] =	vst v24  }
0x153: {  	s9 =	sadd.s32 $0x10, s9;
	v16 =	vld.idx.msk [tilespmem:v44+s23+$0x0], $0xffff;
	[tilespmem:s1+$0xFFFFFF50] =	vst v25  }
0x154: {  	_ =	sdelay $0x2  }
0x155: {  	[tilespmem:s1+$0xFFFFFFD0] =	vst v21  }
0x156: {  	v15 =	vld.idx.msk [tilespmem:v15+s23+$0x0], $0xffff;
	[tilespmem:s1+$0x50] =	vst v20  }
0x157: {  	v14 =	vld.idx.msk [tilespmem:v14+s23+$0x0], $0xffff;
	[tilespmem:s1+$0xD0] =	vst v19  }
0x158: {  	v13 =	vld.idx.msk [tilespmem:v13+s23+$0x0], $0xffff;
	[tilespmem:s1+$0x150] =	vst v18  }
0x159: {  	v12 =	vld.idx.msk [tilespmem:v12+s23+$0x0], $0xffff;
	[tilespmem:s1+$0xFFFFFE60] =	vst v17  }
0x15a: {  	v11 =	vld.idx.msk [tilespmem:v11+s23+$0x0], $0xffff;
	[tilespmem:s1+$0xFFFFFEE0] =	vst v16  }
0x15b: {  	v9 =	vld.idx.msk [tilespmem:v9+s23+$0x0], $0xffff;
	[tilespmem:s1+$0xFFFFFF60] =	vst v15  }
0x15c: {  	v10 =	vld.idx.msk [tilespmem:v10+s23+$0x0], $0xffff;
	[tilespmem:s1+$0xFFFFFFE0] =	vst v14  }
0x15d: {  	v7 =	vld.idx.msk [tilespmem:v7+s23+$0x0], $0xffff;
	[tilespmem:s1+$0x60] =	vst v13  }
0x15e: {  	v8 =	vld.idx.msk [tilespmem:v8+s23+$0x0], $0xffff;
	[tilespmem:s1+$0xE0] =	vst v12  }
0x15f: {  	v6 =	vld.idx.msk [tilespmem:v6+s23+$0x0], $0xffff;
	[tilespmem:s1+$0x160] =	vst v11  }
0x160: {  	v5 =	vld.idx.msk [tilespmem:v5+s23+$0x0], $0xffff;
	[tilespmem:s1+$0xFFFFFE70] =	vst v9  }
0x161: {  	v4 =	vld.idx.msk [tilespmem:v4+s23+$0x0], $0xffff;
	[tilespmem:s1+$0xFFFFFEF0] =	vst v10  }
0x162: {  	[tilespmem:s1+$0xFFFFFF70] =	vst v7  }
.Ltmp8:
0x163: {  	[tilespmem:s1+$0xFFFFFFF0] =	vst v8;
	(pc) =	sbr.rel .LBB2_8-.Ltmp8, $4  }
0x164: {  	s31 =	smul.u32 $0xC00, s31;
	[tilespmem:s2+$0x70] =	vst v6  }
0x165: {  	[tilespmem:s2+$0xF0] =	vst v5  }
0x166: {  	s1 =	sadd.s32 s4, s31;
	[tilespmem:s2+$0x170] =	vst v4  }
0x167: {  	[hbm4b:s1+s5] =	stream.linear.scatter [tilespmem:s24], [sflag:$0x4], $0x6000, $0x38;
	[tilespmem:$0x18000] =	vst v63  }
.LBB2_10:
0x168: {  	s1 =	rddreg [dreg:$0x1]  }
0x169: {  	[tilespmem:s5], [sflag:$0x5] =	stream.linear.gather [hbm4b:s1+s5], $0x400, $0x38;
	[tilespmem:$0x18000] =	vst v63  }
0x16a: {  	s12 =	rddreg [dreg:$0x5];
	s2 =	simm.s32 $0xC00  }
0x16b: {  	[tilespmem:s2], [sflag:$0x5] =	stream.linear.gather [hbm4b:s12+s5], $0x400, $0x38;
	[tilespmem:$0x18000] =	vst v63  }
0x16c: {  	s13 =	rddreg [dreg:$0x6];
	s14 =	simm.s32 $0x1800  }
0x16d: {  	[tilespmem:s14], [sflag:$0x5] =	stream.linear.gather [hbm4b:s13+s5], $0x400, $0x38;
	[tilespmem:$0x18000] =	vst v63  }
0x16e: {  	s28 =	smov.u32 s10;
	s15 =	rddreg [dreg:$0x7];
	s16 =	simm.s32 $0x2400  }
0x16f: {  	[tilespmem:s16], [sflag:$0x5] =	stream.linear.gather [hbm4b:s15+s5], $0x400, $0x38;
	[tilespmem:$0x18000] =	vst v63  }
0x170: {  	s10 =	smov.u32 s7;
	s17 =	rddreg [dreg:$0x8];
	s18 =	simm.s32 $0x3000  }
0x171: {  	[tilespmem:s18], [sflag:$0x5] =	stream.linear.gather [hbm4b:s17+s5], $0x400, $0x38;
	[tilespmem:$0x18000] =	vst v63  }
0x172: {  	s19 =	rddreg [dreg:$0x9];
	s31 =	simm.s32 $0x3C00;
	s3 =	simm.s32 $0x4800  }
0x173: {  	[tilespmem:s31], [sflag:$0x5] =	stream.linear.gather [hbm4b:s19+s5], $0x400, $0x38;
	[tilespmem:$0x18000] =	vst v63  }
0x174: {  	s7 =	simm.s32 $0xC;
	s2 =	rddreg [dreg:$0xa];
	s13 =	simm.s32 $0x6  }
0x175: {  	[tilespmem:s3], [sflag:$0x5] =	stream.linear.gather [hbm4b:s2+s5], $0x400, $0x38;
	[tilespmem:$0x18000] =	vst v63  }
0x176: {  	v4 =	vor.u32 s7, v0;
	s15 =	rddreg [dreg:$0xb];
	s16 =	simm.s32 $0x5;
	s3 =	simm.s32 $0x5400  }
0x177: {  	[tilespmem:s3], [sflag:$0x5] =	stream.linear.gather [hbm4b:s15+s5], $0x400, $0x38;
	[tilespmem:$0x18000] =	vst v63  }
0x178: {  	s14 =	simm.s32 $0x2;
	v5 =	vor.u32 s13, v0;
	_ =	swait.ge [sflag:s16], $0x2000  }
0x179: {  	s9 =	simm.s32 $0x0;
	v6 =	vor.u32 s14, v0;
	[sflag:s16] =	ssyncset.done $0x0  }
0x17a: {  	s11 =	simm.s32 $0x8;
	v7 =	vor.u32 s9, v0;
	[sflag:s16] =	ssyncadd.s32 $0xFFFFE000  }
0x17b: {  	v8 =	vor.u32 s11, v0;
	v4 =	vld.idx.msk [tilespmem:v4+s5+$0x0], $0xffff  }
0x17c: {  	v9 =	vor.u32 s7, v1;
	s12 =	simm.s32 $0x4  }
0x17d: {  	v10 =	vor.u32 s12, v0;
	v5 =	vld.idx.msk [tilespmem:v5+s5+$0x0], $0xffff  }
0x17e: {  	v11 =	vor.u32 s13, v1;
	v6 =	vld.idx.msk [tilespmem:v6+s5+$0x0], $0xffff  }
0x17f: {  	s1 =	simm.s32 $0xC200;
	v12 =	vor.u32 s14, v1;
	s17 =	simm.s32 $0xE;
	v7 =	vld.idx.msk [tilespmem:v7+s5+$0x0], $0xffff  }
0x180: {  	v13 =	vor.u32 s17, v0;
	v8 =	vld.idx.msk [tilespmem:v8+s5+$0x0], $0xffff;
	[tilespmem:s1+$0x100] =	vst v4  }
0x181: {  	v4 =	vor.u32 s11, v1;
	v9 =	vld.idx.msk [tilespmem:v9+s5+$0x0], $0xffff  }
0x182: {  	v14 =	vor.u32 s7, v2;
	[tilespmem:s1+$0xFFFFFF80] =	vst v5;
	v5 =	vld.idx.msk [tilespmem:v10+s5+$0x0], $0xffff  }
0x183: {  	v10 =	vor.u32 s12, v1;
	[tilespmem:s1+$0xFFFFFE80] =	vst v6;
	v11 =	vld.idx.msk [tilespmem:v11+s5+$0x0], $0xffff  }
0x184: {  	v6 =	vor.u32 s13, v2;
	v12 =	vld.idx.msk [tilespmem:v12+s5+$0x0], $0xffff  }
0x185: {  	v15 =	vor.u32 s14, v2;
	v13 =	vld.idx.msk [tilespmem:v13+s5+$0x0], $0xffff;
	[tilespmem:s1+$0x0] =	vst v8  }
0x186: {  	v8 =	vor.u32 s9, v1;
	v16 =	vld.idx.msk [tilespmem:v4+s5+$0x0], $0xffff;
	[tilespmem:s1+$0x110] =	vst v9  }
0x187: {  	v4 =	vor.u32 s17, v1;
	[tilespmem:s1+$0xFFFFFF00] =	vst v5;
	v5 =	vld.idx.msk [tilespmem:v14+s5+$0x0], $0xffff  }
0x188: {  	[tilespmem:s1+$0xFFFFFF90] =	vst v11;
	v9 =	vld.idx.msk [tilespmem:v10+s5+$0x0], $0xffff;
	v10 =	vor.u32 s7, v3  }
0x189: {  	v11 =	vor.u32 s12, v2;
	[tilespmem:s1+$0xFFFFFE90] =	vst v12;
	v6 =	vld.idx.msk [tilespmem:v6+s5+$0x0], $0xffff  }
0x18a: {  	s2 =	simm.s32 $0xA;
	[tilespmem:s1+$0xFFFFFE00] =	vst v7;
	v7 =	vld.idx.msk [tilespmem:v15+s5+$0x0], $0xffff  }
0x18b: {  	s15 =	simm.s32 $0xD;
	[tilespmem:s1+$0x180] =	vst v13;
	v13 =	vld.idx.msk [tilespmem:v8+s5+$0x0], $0xffff;
	v15 =	vor.u32 s2, v0  }
0x18c: {  	v8 =	vor.u32 s14, v3;
	v14 =	vmov s15;
	v17 =	vld.idx.msk [tilespmem:v4+s5+$0x0], $0xffff;
	[tilespmem:s1+$0x120] =	vst v5  }
0x18d: {  	v12 =	vor.u32 s13, v3;
	v14 =	vshll.u32 v14, $0x3;
	[tilespmem:s1+$0xFFFFFF10] =	vst v9;
	v9 =	vld.idx.msk [tilespmem:v10+s5+$0x0], $0xffff  }
0x18e: {  	s18 =	simm.s32 $0x7;
	v4 =	vand.u32 $0x7FFFFC00, v14;
	v14 =	vor.u32 s17, v2;
	[tilespmem:s1+$0xFFFFFFA0] =	vst v6;
	v6 =	vld.idx.msk [tilespmem:v11+s5+$0x0], $0xffff  }
0x18f: {  	v4 =	vadd.s32 s15, v4;
	v5 =	vmov s18;
	[tilespmem:s1+$0xFFFFFEA0] =	vst v7;
	v7 =	vor.u32 s12, v3  }
0x190: {  	s19 =	simm.s32 $0x3;
	v15 =	vld.idx.msk [tilespmem:v15+s5+$0x0], $0xffff;
	v5 =	vshll.u32 v5, $0x3;
	v10 =	vadd.s32 v0, v4  }
0x191: {  	v19 =	vor.u32 s9, v2;
	s31 =	simm.s32 $0x5;
	v18 =	vld.idx.msk [tilespmem:v8+s5+$0x0], $0xffff;
	v8 =	vmov s19;
	v5 =	vand.u32 $0x7FFFFC00, v5;
	[tilespmem:s1+$0x190] =	vst v17  }
0x192: {  	v11 =	vld.idx.msk [tilespmem:v12+s5+$0x0], $0xffff;
	v8 =	vshll.u32 v8, $0x3;
	v5 =	vadd.s32 s18, v5;
	[tilespmem:s1+$0x130] =	vst v9;
	v9 =	vmov s31  }
0x193: {  	v17 =	vor.u32 s11, v2;
	v14 =	vld.idx.msk [tilespmem:v14+s5+$0x0], $0xffff;
	[tilespmem:s1+$0xFFFFFF20] =	vst v6;
	v6 =	vand.u32 $0x7FFFFC00, v8;
	v20 =	vshll.u32 v9, $0x3  }
0x194: {  	v12 =	vadd.s32 v0, v5;
	v8 =	vadd.s32 s19, v6;
	v6 =	vld.idx.msk [tilespmem:v7+s5+$0x0], $0xffff;
	v7 =	vand.u32 $0x7FFFFC00, v20  }
0x195: {  	[tilespmem:s1+$0xFFFFFE10] =	vst v13;
	v9 =	vld.idx.msk [tilespmem:v10+s5+$0x0], $0xffff;
	v10 =	vor.u32 s17, v3;
	v7 =	vadd.s32 s31, v7  }
0x196: {  	[tilespmem:s1+$0x10] =	vst v16;
	v20 =	vadd.s32 v0, v7  }
0x197: {  	v21 =	vor.u32 s2, v1;
	v19 =	vld.idx.msk [tilespmem:v19+s5+$0x0], $0xffff;
	[tilespmem:s1+$0x80] =	vst v15  }
0x198: {  	s3 =	simm.s32 $0xF;
	[tilespmem:s1+$0xFFFFFFB0] =	vst v11;
	v11 =	vadd.s32 v0, v8;
	v23 =	vld.idx.msk [tilespmem:v17+s5+$0x0], $0xffff  }
0x199: {  	v15 =	vmov s3;
	v17 =	vor.u32 s9, v3;
	v13 =	vld.idx.msk [tilespmem:v12+s5+$0x0], $0xffff;
	[tilespmem:s1+$0x1A0] =	vst v14  }
0x19a: {  	v22 =	vadd.s32 v1, v5;
	v14 =	vshll.u32 v15, $0x3;
	[tilespmem:s1+$0xFFFFFF30] =	vst v6;
	v16 =	vld.idx.msk [tilespmem:v10+s5+$0x0], $0xffff  }
0x19b: {  	v10 =	vand.u32 $0x7FFFFC00, v14;
	v15 =	vld.idx.msk [tilespmem:v20+s5+$0x0], $0xffff;
	v20 =	vor.u32 s11, v3  }
0x19c: {  	[tilespmem:s1+$0xFFFFFEB0] =	vst v18;
	v12 =	vld.idx.msk [tilespmem:v21+s5+$0x0], $0xffff;
	v6 =	vadd.s32 s3, v10  }
0x19d: {  	[tilespmem:s1+$0xFFFFFE20] =	vst v19;
	v14 =	vld.idx.msk [tilespmem:v11+s5+$0x0], $0xffff;
	v18 =	vadd.s32 v0, v6  }
0x19e: {  	s30 =	simm.s32 $0x1;
	v19 =	vadd.s32 v1, v4;
	v11 =	vld.idx.msk [tilespmem:v17+s5+$0x0], $0xffff;
	[tilespmem:s1+$0xFFFFFFC0] =	vst v13  }
0x19f: {  	s12 =	simm.s32 $0xC600;
	s9 =	simm.s32 $0x0;
	v10 =	vadd.s32 v1, v7;
	v17 =	vadd.s32 v1, v8;
	[tilespmem:s1+$0x20] =	vst v23;
	v13 =	vld.idx.msk [tilespmem:v22+s5+$0x0], $0xffff;
	s11 =	simm.s32 $0x1F  }
.LBB2_11:
0x1a0: {  	s19 =	sadd.s32 $0xFFFFFFF1, s11;
	s17 =	sadd.s32 $0xFFFFFFF7, s11;
	s18 =	sadd.s32 $0xFFFFFFFB, s11;
	v21 =	vor.u32 s30, v0;
	v20 =	vld.idx.msk [tilespmem:v20+s5+$0x0], $0xffff;
	[tilespmem:s1+$0x140] =	vst v9  }
0x1a1: {  	s15 =	sadd.s32 $0xFFFFFFF3, s11;
	s31 =	sadd.s32 $0xFFFFFFF9, s11;
	s13 =	sadd.s32 $0xFFFFFFFF, s11;
	v22 =	vor.u32 s19, v0;
	v23 =	vor.u32 s17, v0;
	v9 =	vor.u32 s18, v0;
	[tilespmem:s1+$0x1B0] =	vst v16  }
0x1a2: {  	s14 =	sadd.s32 $0xFFFFFFF5, s11;
	s16 =	sadd.s32 $0xFFFFFFFD, s11;
	s9 =	sadd.s32 $0x8, s9;
	v16 =	vor.u32 s15, v0;
	v24 =	vor.u32 s31, v0;
	v25 =	vor.u32 s13, v0;
	v18 =	vld.idx.msk [tilespmem:v18+s5+$0x0], $0xffff  }
0x1a3: {  	v26 =	vor.u32 s14, v0;
	v27 =	vor.u32 s16, v0;
	p1 =	slt.u32 s9, $0x18;
	[tilespmem:s1+$0xFFFFFEC0] =	vst v14;
	v14 =	vld.idx.msk [tilespmem:v19+s5+$0x0], $0xffff  }
0x1a4: {  	s7 =	sadd.s32 $0xFFFFFFFA, s3;
	v17 =	vld.idx.msk [tilespmem:v17+s5+$0x0], $0xffff;
	[tilespmem:s1+$0xFFFFFF40] =	vst v15;
	v15 =	vor.u32 s2, v2  }
0x1a5: {  	v19 =	vadd.s32 v1, v6;
	v10 =	vld.idx.msk [tilespmem:v10+s5+$0x0], $0xffff;
	[tilespmem:s1+$0xFFFFFFD0] =	vst v13;
	v13 =	vmov s7  }
0x1a6: {  	v22 =	vld.idx.msk [tilespmem:v22+s5+$0x0], $0xffff;
	[tilespmem:s1+$0xFFFFFE30] =	vst v11;
	v11 =	vshll.u32 v13, $0x3  }
0x1a7: {  	v13 =	vadd.s32 v2, v7;
	v25 =	vld.idx.msk [tilespmem:v25+s5+$0x0], $0xffff;
	v11 =	vand.u32 $0x7FFFFC00, v11;
	[tilespmem:s1+$0x90] =	vst v12  }
0x1a8: {  	v28 =	vor.u32 s19, v1;
	v12 =	vld.idx.msk [tilespmem:v21+s5+$0x0], $0xffff;
	v21 =	vadd.s32 s7, v11;
	[tilespmem:s1+$0x1C0] =	vst v18  }
0x1a9: {  	v18 =	vor.u32 s13, v1;
	v11 =	vadd.s32 v0, v21;
	v15 =	vld.idx.msk [tilespmem:v15+s5+$0x0], $0xffff;
	[tilespmem:s1+$0x150] =	vst v14  }
0x1aa: {  	v14 =	vor.u32 s16, v1;
	[tilespmem:s1+$0xFFFFFED0] =	vst v17;
	v17 =	vld.idx.msk [tilespmem:v19+s5+$0x0], $0xffff  }
0x1ab: {  	v29 =	vadd.s32 v2, v8;
	v19 =	vor.u32 s17, v1;
	v27 =	vld.idx.msk [tilespmem:v27+s5+$0x0], $0xffff;
	[tilespmem:s1+$0xFFFFFF50] =	vst v10  }
0x1ac: {  	v30 =	vor.u32 s2, v3;
	s2 =	smov.u32 s18;
	[tilespmem:s12+$0xFFFFFE00] =	vst v22;
	v22 =	vld.idx.msk [tilespmem:v13+s5+$0x0], $0xffff  }
0x1ad: {  	v31 =	vor.u32 s31, v1;
	v23 =	vld.idx.msk [tilespmem:v23+s5+$0x0], $0xffff;
	[tilespmem:s1+$0x30] =	vst v20  }
0x1ae: {  	v20 =	vor.u32 s15, v1;
	[tilespmem:s1+$0xFFFFFE40] =	vst v12;
	v11 =	vld.idx.msk [tilespmem:v11+s5+$0x0], $0xffff;
	v12 =	vadd.s32 v2, v6  }
0x1af: {  	s7 =	sadd.s32 $0xFFFFFFFC, s3;
	s3 =	smov.u32 s11;
	v10 =	vor.u32 s19, v2;
	v24 =	vld.idx.msk [tilespmem:v24+s5+$0x0], $0xffff;
	[tilespmem:s1+$0xA0] =	vst v15  }
0x1b0: {  	v13 =	vor.u32 s13, v2;
	v15 =	vld.idx.msk [tilespmem:v29+s5+$0x0], $0xffff;
	v29 =	vmov s7;
	[tilespmem:s1+$0x1D0] =	vst v17  }
0x1b1: {  	v17 =	vor.u32 s16, v2;
	v16 =	vld.idx.msk [tilespmem:v16+s5+$0x0], $0xffff;
	[tilespmem:s12+$0x100] =	vst v27;
	v27 =	vadd.s32 v1, v21;
	v29 =	vshll.u32 v29, $0x3  }
0x1b2: {  	v32 =	vor.u32 s17, v2;
	[tilespmem:s1+$0xFFFFFF60] =	vst v22;
	v22 =	vld.idx.msk [tilespmem:v30+s5+$0x0], $0xffff;
	v29 =	vand.u32 $0x7FFFFC00, v29  }
0x1b3: {  	v30 =	vor.u32 s14, v1;
	[tilespmem:s12+$0xFFFFFF80] =	vst v23;
	v23 =	vadd.s32 s7, v29;
	v29 =	vld.idx.msk [tilespmem:v12+s5+$0x0], $0xffff  }
0x1b4: {  	v12 =	vor.u32 s31, v2;
	v19 =	vld.idx.msk [tilespmem:v19+s5+$0x0], $0xffff;
	[tilespmem:s1+$0x40] =	vst v11;
	v33 =	vadd.s32 v0, v23  }
0x1b5: {  	v34 =	vor.u32 s15, v2;
	v26 =	vld.idx.msk [tilespmem:v26+s5+$0x0], $0xffff;
	[tilespmem:s12+$0x0] =	vst v24  }
0x1b6: {  	v8 =	vadd.s32 v3, v8;
	[tilespmem:s1+$0xFFFFFEE0] =	vst v15;
	v15 =	vld.idx.msk [tilespmem:v27+s5+$0x0], $0xffff  }
0x1b7: {  	v7 =	vadd.s32 v3, v7;
	[tilespmem:s12+$0xFFFFFE80] =	vst v16;
	v14 =	vld.idx.msk [tilespmem:v14+s5+$0x0], $0xffff  }
0x1b8: {  	v11 =	vor.u32 s19, v3;
	v16 =	vld.idx.msk [tilespmem:v20+s5+$0x0], $0xffff;
	[tilespmem:s1+$0xB0] =	vst v22  }
0x1b9: {  	v20 =	vld.idx.msk [tilespmem:v33+s5+$0x0], $0xffff;
	[tilespmem:s1+$0x1E0] =	vst v29  }
0x1ba: {  	v24 =	vor.u32 s30, v1;
	v22 =	vld.idx.msk [tilespmem:v31+s5+$0x0], $0xffff;
	[tilespmem:s12+$0x180] =	vst v25  }
0x1bb: {  	[tilespmem:s12+$0xFFFFFF00] =	vst v26;
	v8 =	vld.idx.msk [tilespmem:v8+s5+$0x0], $0xffff  }
0x1bc: {  	v25 =	vor.u32 s14, v2;
	[tilespmem:s12+$0xFFFFFF90] =	vst v19;
	v7 =	vld.idx.msk [tilespmem:v7+s5+$0x0], $0xffff  }
0x1bd: {  	v19 =	vld.idx.msk [tilespmem:v28+s5+$0x0], $0xffff;
	[tilespmem:s12+$0x110] =	vst v14;
	v14 =	vadd.s32 v2, v21  }
0x1be: {  	v26 =	vadd.s32 v1, v23;
	[tilespmem:s12+$0xFFFFFE90] =	vst v16;
	v16 =	vld.idx.msk [tilespmem:v32+s5+$0x0], $0xffff  }
0x1bf: {  	v24 =	vld.idx.msk [tilespmem:v24+s5+$0x0], $0xffff;
	[tilespmem:s1+$0x50] =	vst v15  }
0x1c0: {  	v15 =	vld.idx.msk [tilespmem:v34+s5+$0x0], $0xffff;
	[tilespmem:s12+$0x10] =	vst v22  }
0x1c1: {  	v22 =	vor.u32 s17, v3;
	v18 =	vld.idx.msk [tilespmem:v18+s5+$0x0], $0xffff;
	[tilespmem:s1+$0xFFFFFEF0] =	vst v8  }
0x1c2: {  	v8 =	vld.idx.msk [tilespmem:v14+s5+$0x0], $0xffff;
	[tilespmem:s1+$0xC0] =	vst v20;
	v14 =	vadd.s32 v2, v4  }
0x1c3: {  	v20 =	vor.u32 s30, v2;
	[tilespmem:s1+$0xFFFFFF70] =	vst v7;
	v7 =	vld.idx.msk [tilespmem:v26+s5+$0x0], $0xffff  }
0x1c4: {  	[tilespmem:s12+$0xFFFFFFA0] =	vst v16;
	v16 =	vld.idx.msk [tilespmem:v17+s5+$0x0], $0xffff;
	v17 =	vadd.s32 v3, v21  }
0x1c5: {  	v21 =	vld.idx.msk [tilespmem:v30+s5+$0x0], $0xffff;
	[tilespmem:s1+$0xFFFFFE50] =	vst v24;
	v24 =	vadd.s32 v2, v23  }
0x1c6: {  	[tilespmem:s12+$0xFFFFFE10] =	vst v19;
	v19 =	vld.idx.msk [tilespmem:v22+s5+$0x0], $0xffff;
	v22 =	vadd.s32 v2, v5  }
0x1c7: {  	v26 =	vor.u32 s16, v3;
	[tilespmem:s12+$0x190] =	vst v18;
	v14 =	vld.idx.msk [tilespmem:v14+s5+$0x0], $0xffff  }
0x1c8: {  	v18 =	vld.idx.msk [tilespmem:v20+s5+$0x0], $0xffff;
	[tilespmem:s1+$0x60] =	vst v8  }
0x1c9: {  	v6 =	vadd.s32 v3, v6;
	v8 =	vld.idx.msk [tilespmem:v17+s5+$0x0], $0xffff;
	[tilespmem:s1+$0xD0] =	vst v7  }
0x1ca: {  	v7 =	vor.u32 s30, v3;
	[tilespmem:s12+$0x120] =	vst v16;
	v16 =	vld.idx.msk [tilespmem:v24+s5+$0x0], $0xffff  }
0x1cb: {  	v20 =	vadd.s32 v3, v4;
	[tilespmem:s12+$0xFFFFFF10] =	vst v21;
	v17 =	vld.idx.msk [tilespmem:v22+s5+$0x0], $0xffff  }
0x1cc: {  	s7 =	sadd.s32 $0xFFFFFFFE, s11;
	v21 =	vor.u32 s15, v3;
	[tilespmem:s12+$0xFFFFFFB0] =	vst v19;
	v19 =	vld.idx.msk [tilespmem:v26+s5+$0x0], $0xffff  }
0x1cd: {  	v4 =	vmov s7;
	v22 =	vadd.s32 v3, v5;
	[tilespmem:s12+$0xFFFFFEA0] =	vst v15;
	v15 =	vld.idx.msk [tilespmem:v25+s5+$0x0], $0xffff  }
0x1ce: {  	v4 =	vshll.u32 v4, $0x3;
	s15 =	sadd.s32 $0xFFFFFFF8, s11;
	[tilespmem:s1+$0xFFFFFE60] =	vst v18;
	v18 =	vadd.s32 v3, v23;
	v6 =	vld.idx.msk [tilespmem:v6+s5+$0x0], $0xffff  }
0x1cf: {  	v4 =	vand.u32 $0x7FFFFC00, v4;
	v5 =	vmov s15;
	v7 =	vld.idx.msk [tilespmem:v7+s5+$0x0], $0xffff;
	[tilespmem:s1+$0x160] =	vst v14  }
0x1d0: {  	v4 =	vadd.s32 s7, v4;
	v5 =	vshll.u32 v5, $0x3;
	[tilespmem:s1+$0x70] =	vst v8;
	v14 =	vld.idx.msk [tilespmem:v20+s5+$0x0], $0xffff  }
0x1d1: {  	v5 =	vand.u32 $0x7FFFFC00, v5;
	v20 =	vadd.s32 v0, v4;
	v8 =	vld.idx.msk [tilespmem:v21+s5+$0x0], $0xffff;
	[tilespmem:s1+$0xFFFFFFE0] =	vst v17  }
0x1d2: {  	v5 =	vadd.s32 s15, v5;
	v17 =	vor.u32 s14, v3;
	v21 =	vld.idx.msk [tilespmem:v22+s5+$0x0], $0xffff;
	[tilespmem:s1+$0xE0] =	vst v16  }
0x1d3: {  	s7 =	sadd.s32 $0xFFFFFFF4, s11;
	[tilespmem:s12+$0xFFFFFF20] =	vst v15;
	v15 =	vadd.s32 v0, v5;
	v16 =	vld.idx.msk [tilespmem:v18+s5+$0x0], $0xffff  }
0x1d4: {  	s14 =	sadd.s32 $0xFFFFFFF6, s11;
	v18 =	vmov s7;
	v22 =	vld.idx.msk [tilespmem:v9+s5+$0x0], $0xffff;
	[tilespmem:s12+$0x130] =	vst v19  }
0x1d5: {  	v9 =	vshll.u32 v18, $0x3;
	v18 =	vmov s14;
	v13 =	vld.idx.msk [tilespmem:v13+s5+$0x0], $0xffff;
	[tilespmem:s1+$0xFFFFFE70] =	vst v7  }
0x1d6: {  	v19 =	vor.u32 s2, v1;
	v7 =	vand.u32 $0x7FFFFC00, v9;
	v18 =	vshll.u32 v18, $0x3;
	v9 =	vld.idx.msk [tilespmem:v20+s5+$0x0], $0xffff;
	[tilespmem:s1+$0x1F0] =	vst v6  }
0x1d7: {  	[tilespmem:s12+$0xFFFFFEB0] =	vst v8;
	v8 =	vadd.s32 s7, v7;
	v6 =	vld.idx.msk [tilespmem:v17+s5+$0x0], $0xffff;
	v7 =	vand.u32 $0x7FFFFC00, v18;
	v17 =	vor.u32 s13, v3  }
0x1d8: {  	v18 =	vadd.s32 v0, v8;
	v7 =	vadd.s32 s14, v7;
	v23 =	vld.idx.msk [tilespmem:v15+s5+$0x0], $0xffff;
	[tilespmem:s1+$0xFFFFFFF0] =	vst v21  }
0x1d9: {  	v21 =	vld.idx.msk [tilespmem:v10+s5+$0x0], $0xffff;
	v15 =	vadd.s32 v0, v7;
	v10 =	vadd.s32 v1, v7;
	[tilespmem:s1+$0xF0] =	vst v16  }
0x1da: {  	v24 =	vadd.s32 v1, v5;
	v16 =	vmov s11;
	v25 =	vld.idx.msk [tilespmem:v12+s5+$0x0], $0xffff;
	[tilespmem:s12+$0x80] =	vst v22  }
0x1db: {  	v12 =	vld.idx.msk [tilespmem:v19+s5+$0x0], $0xffff;
	[tilespmem:s12+$0x1A0] =	vst v13;
	v13 =	vshll.u32 v16, $0x3  }
.Ltmp9:
0x1dc: {  	v20 =	vor.u32 s31, v3;
	v16 =	vld.idx.msk [tilespmem:v17+s5+$0x0], $0xffff;
	v13 =	vand.u32 $0x7FFFFC00, v13;
	[tilespmem:s1+$0x170] =	vst v14;
	s1 =	smov.u32 s12;
	(pc) =	sbr.rel @p1 .LBB2_11-.Ltmp9, $4  }
0x1dd: {  	v14 =	vld.idx.msk [tilespmem:v18+s5+$0x0], $0xffff;
	[tilespmem:s12+$0xFFFFFF30] =	vst v6;
	v6 =	vadd.s32 s11, v13  }
0x1de: {  	v15 =	vld.idx.msk [tilespmem:v15+s5+$0x0], $0xffff;
	[tilespmem:s12+$0xFFFFFFC0] =	vst v23;
	v18 =	vadd.s32 v0, v6  }
0x1df: {  	v19 =	vadd.s32 v1, v4;
	[tilespmem:s12+$0xFFFFFE20] =	vst v21;
	v13 =	vld.idx.msk [tilespmem:v24+s5+$0x0], $0xffff  }
0x1e0: {  	s30 =	sadd.s32 $0xFFFFFFF2, s3;
	v17 =	vadd.s32 v1, v8;
	s11 =	sadd.s32 $0x10, s11;
	s12 =	sadd.s32 $0x400, s12;
	v11 =	vld.idx.msk [tilespmem:v11+s5+$0x0], $0xffff;
	[tilespmem:s1+$0x20] =	vst v25  }
0x1e1: {  	v21 =	vor.u32 s2, v2;
	_ =	sdelay $0x3  }
0x1e2: {  	[tilespmem:s1+$0x90] =	vst v12  }
0x1e3: {  	[tilespmem:s1+$0x140] =	vst v9;
	v21 =	vld.idx.msk [tilespmem:v21+s5+$0x0], $0xffff  }
0x1e4: {  	s7 =	sadd.s32 $0xFFFFFFFA, s3;
	v33 =	vor.u32 s2, v3;
	[tilespmem:s1+$0x1B0] =	vst v16  }
0x1e5: {  	v20 =	vld.idx.msk [tilespmem:v20+s5+$0x0], $0xffff;
	s19 =	sadd.s32 $0xFFFFFFFC, s3;
	v31 =	vmov s7;
	[tilespmem:s1+$0xFFFFFEC0] =	vst v14  }
0x1e6: {  	v36 =	vor.u32 s30, v0;
	v35 =	vmov s19;
	v18 =	vld.idx.msk [tilespmem:v18+s5+$0x0], $0xffff;
	v12 =	vshll.u32 v31, $0x3;
	[tilespmem:s1+$0xFFFFFF40] =	vst v15  }
0x1e7: {  	v54 =	vadd.s32 v2, v5;
	v19 =	vld.idx.msk [tilespmem:v19+s5+$0x0], $0xffff;
	v16 =	vshll.u32 v35, $0x3;
	v32 =	vand.u32 $0x7FFFFC00, v12;
	[tilespmem:s1+$0xFFFFFFD0] =	vst v13  }
0x1e8: {  	v37 =	vadd.s32 v1, v6;
	v17 =	vld.idx.msk [tilespmem:v17+s5+$0x0], $0xffff;
	v16 =	vand.u32 $0x7FFFFC00, v16;
	v9 =	vadd.s32 s7, v32;
	[tilespmem:s1+$0xA0] =	vst v21  }
0x1e9: {  	v16 =	vadd.s32 s19, v16;
	[tilespmem:s1+$0xFFFFFE30] =	vst v11;
	v34 =	vadd.s32 v0, v9;
	v12 =	vld.idx.msk [tilespmem:v33+s5+$0x0], $0xffff  }
0x1ea: {  	v10 =	vld.idx.msk [tilespmem:v10+s5+$0x0], $0xffff;
	[tilespmem:s1+$0x30] =	vst v20;
	v38 =	vadd.s32 v0, v16  }
0x1eb: {  	v56 =	vadd.s32 v2, v4;
	v15 =	vld.idx.msk [tilespmem:v36+s5+$0x0], $0xffff;
	[tilespmem:s1+$0x1C0] =	vst v18  }
0x1ec: {  	v39 =	vadd.s32 v2, v8;
	v59 =	vld.idx.msk [tilespmem:v54+s5+$0x0], $0xffff;
	[tilespmem:s1+$0x150] =	vst v19  }
0x1ed: {  	v42 =	vadd.s32 v2, v7;
	v13 =	vld.idx.msk [tilespmem:v37+s5+$0x0], $0xffff;
	[tilespmem:s1+$0xFFFFFED0] =	vst v17  }
0x1ee: {  	v41 =	vor.u32 s30, v1;
	v14 =	vld.idx.msk [tilespmem:v34+s5+$0x0], $0xffff;
	[tilespmem:s1+$0xB0] =	vst v12  }
0x1ef: {  	v40 =	vadd.s32 v1, v9;
	[tilespmem:s1+$0xFFFFFF50] =	vst v10;
	v44 =	vld.idx.msk [tilespmem:v38+s5+$0x0], $0xffff  }
0x1f0: {  	v45 =	vadd.s32 v1, v16;
	v61 =	vld.idx.msk [tilespmem:v56+s5+$0x0], $0xffff;
	[tilespmem:s1+$0xFFFFFE40] =	vst v15  }
0x1f1: {  	v5 =	vadd.s32 v3, v5;
	v11 =	vld.idx.msk [tilespmem:v39+s5+$0x0], $0xffff;
	[tilespmem:s1+$0xFFFFFFE0] =	vst v59  }
0x1f2: {  	v4 =	vadd.s32 v3, v4;
	v50 =	vld.idx.msk [tilespmem:v42+s5+$0x0], $0xffff;
	[tilespmem:s1+$0x1D0] =	vst v13  }
0x1f3: {  	v43 =	vadd.s32 v2, v6;
	v49 =	vld.idx.msk [tilespmem:v41+s5+$0x0], $0xffff;
	[tilespmem:s1+$0x40] =	vst v14  }
0x1f4: {  	v51 =	vor.u32 s30, v2;
	v47 =	vld.idx.msk [tilespmem:v40+s5+$0x0], $0xffff;
	[tilespmem:s1+$0xC0] =	vst v44  }
0x1f5: {  	v48 =	vadd.s32 v2, v9;
	[tilespmem:s1+$0x160] =	vst v61;
	v53 =	vld.idx.msk [tilespmem:v45+s5+$0x0], $0xffff  }
0x1f6: {  	v55 =	vadd.s32 v2, v16;
	v5 =	vld.idx.msk [tilespmem:v5+s5+$0x0], $0xffff;
	[tilespmem:s1+$0xFFFFFEE0] =	vst v11  }
0x1f7: {  	v46 =	vadd.s32 v3, v8;
	v4 =	vld.idx.msk [tilespmem:v4+s5+$0x0], $0xffff;
	[tilespmem:s1+$0xFFFFFF60] =	vst v50  }
0x1f8: {  	v52 =	vadd.s32 v3, v7;
	v12 =	vld.idx.msk [tilespmem:v43+s5+$0x0], $0xffff;
	[tilespmem:s1+$0xFFFFFE50] =	vst v49  }
0x1f9: {  	v58 =	vadd.s32 v3, v6;
	v13 =	vld.idx.msk [tilespmem:v51+s5+$0x0], $0xffff;
	[tilespmem:s1+$0x50] =	vst v47  }
0x1fa: {  	v57 =	vor.u32 s30, v3;
	v10 =	vld.idx.msk [tilespmem:v48+s5+$0x0], $0xffff;
	[tilespmem:s1+$0xD0] =	vst v53  }
0x1fb: {  	v9 =	vadd.s32 v3, v9;
	[tilespmem:s1+$0xFFFFFFF0] =	vst v5;
	v60 =	vld.idx.msk [tilespmem:v55+s5+$0x0], $0xffff  }
0x1fc: {  	v62 =	vadd.s32 v3, v16;
	v8 =	vld.idx.msk [tilespmem:v46+s5+$0x0], $0xffff;
	[tilespmem:s1+$0x170] =	vst v4  }
0x1fd: {  	v7 =	vld.idx.msk [tilespmem:v52+s5+$0x0], $0xffff;
	[tilespmem:s1+$0x1E0] =	vst v12  }
0x1fe: {  	[tilespmem:s1+$0xFFFFFE60] =	vst v13;
	v6 =	vld.idx.msk [tilespmem:v58+s5+$0x0], $0xffff  }
0x1ff: {  	v63 =	vld.idx.msk [tilespmem:v57+s5+$0x0], $0xffff;
	[tilespmem:s1+$0x60] =	vst v10  }
0x200: {  	v9 =	vld.idx.msk [tilespmem:v9+s5+$0x0], $0xffff;
	[tilespmem:s1+$0xE0] =	vst v60  }
0x201: {  	[tilespmem:s1+$0xFFFFFEF0] =	vst v8;
	v8 =	vld.idx.msk [tilespmem:v62+s5+$0x0], $0xffff  }
0x202: {  	[tilespmem:s1+$0xFFFFFF70] =	vst v7  }
0x203: {  	[tilespmem:s1+$0x1F0] =	vst v6  }
0x204: {  	[tilespmem:s1+$0xFFFFFE70] =	vst v63  }
0x205: {  	[tilespmem:s1+$0x70] =	vst v9  }
0x206: {  	[tilespmem:s1+$0xF0] =	vst v8  }
.Ltmp10:
0x207: {  	s31 =	simm.s32 $0x5;
	s1 =	rddreg [dreg:$0x4];
	(pc) =	sbr.rel .LBB2_13-.Ltmp10, $4  }
0x208: {  	[hbm4b:s1+s5] =	stream.linear.scatter [tilespmem:s21], [sflag:$0x5], $0x1000, $0x38;
	[tilespmem:$0x18000] =	vst v63  }
0x209: {  	_ =	swait.ge [sflag:s31], $0x1000  }
0x20a: {  	s7 =	smov.u32 s10;
	[sflag:s31] =	ssyncset.done $0x0  }
0x20b: {  	s10 =	smov.u32 s28;
	s28 =	simm.s32 $0x7A1400;
	[sflag:s31] =	ssyncadd.s32 $0xFFFFF000  }
.LBB2_14:
0x20c: {  	_ =	sfence.sel $0x180000  }
0x20d: {  	[bflag:$0x0] =	sbarrier.arrive $0xFFFF  }
0x20e: {  	_ =	strace $0x90000047  }
0x20f: {  	s0 =	stileid.u32;
	[bflag:$0x2] =	sbarrier.arrive $0xFFFF  }
0x210: {  	p0 =	sne.s32 s0, $0x0;
	s0 =	rddreg [dreg:$0x3]  }
0x211: {  	s0 =	sadd.s32 @!p0 $0x100000, s0  }
0x212: {  	[sflag:s0] =	ssyncadd.tile.s32 @!p0 $0x1;
	_ =	shalt  }
.Lfunc_end2:
_tile_overlayer_lowered:
.L_overlay_start_2:
0x213: {  	(tag) =	ssettag $0x2  }
0x214: {  	s0 =	rddreg [dreg:$0x0];
	s2 =	stileid.u32  }
0x215: {  	s1 =	rddreg [dreg:$0x1];
	p0 =	sne.s32 s2, $0x0  }
0x216: {  	s3 =	rddreg [dreg:$0x2];
	[bflag:$0x3] =	sbarrier.arrive $0xFFFF;
	s2 =	simm.s32 @!p0 $0x1C05  }
0x217: {  	[timem:s3], [sflag:s2] =	dma.local @!p0 [hbm:s0], s1  }
0x218: {  	s0 =	simm.s32 @!p0 $0x5  }
0x219: {  	_ =	swait.ge @!p0 [sflag:s0], s1  }
0x21a: {  	s1 =	ssub.s32 @!p0 $0x0, s1;
	[sflag:s0] =	ssyncset.done @!p0 $0x0  }
0x21b: {  	[sflag:s0] =	ssyncadd.s32 @!p0 s1  }
0x21c: {  	[bflag:$0x3] =	sbarrier.arrive $0xFFFF  }
0x21d: {  	_ =	shalt  }

</sc_bundles>
